<compile_context>
chip_gen: v7x
topology: tpu7x:2x2x1
jax: 0.10.2.dev20260603
libtpu: 0.0.44.dev20260713+nightly
codegen_flags: <defaults>
</compile_context>

<pallas_src>
import functools

import jax
import jax.numpy as jnp
from jax import lax
from jax.experimental import pallas as pl
from jax.experimental.pallas import tpu as pltpu
from jax.experimental.pallas import tpu_sc as plsc

_NC = 80
_B = 16
_N = 20
_NP = 32
_R0, _R1, _R2 = 16 * 64 * 64 * 3, 16 * 32 * 32 * 3, 16 * 16 * 16 * 3
_TOT = _R0 + _R1 + _R2
_TAB = 3 * (64 * 64 + 32 * 32 + 16 * 16)
_AW = (0.02, 0.04, 0.08, 0.07, 0.15, 0.14, 0.28, 0.38, 0.90)
_AH = (0.03, 0.07, 0.06, 0.15, 0.11, 0.29, 0.22, 0.48, 0.78)
_LC, _LF, _LS = 0.05, 1.0, 0.5
_EPS = 1e-8


def _sc_body(bb_hbm, p0_hbm, p1_hbm, p2_hbm,
             win_out, s_out, ux_out, uy_out, rw_out, rh_out,
             r0_out, r1_out, r2_out,
             bx_v, by_v, bw_v, bh_v, cell_v, hl_v,
             win_v, s_v, ux_v, uy_v, rw_v, rh_v,
             idx0_v, idx1_v, idx2_v, sem):
    wid = lax.axis_index("s") * 2 + lax.axis_index("c")

    @pl.when(wid < _B)
    def _():
        i = wid
        pltpu.sync_copy(bb_hbm.at[0, i], bx_v)
        pltpu.sync_copy(bb_hbm.at[1, i], by_v)
        pltpu.sync_copy(bb_hbm.at[2, i], bw_v)
        pltpu.sync_copy(bb_hbm.at[3, i], bh_v)
        lanes = lax.iota(jnp.int32, 16)

        cell_v[pl.ds(32, 16)] = -1000 - lanes
        cell_v[pl.ds(48, 16)] = -2000 - lanes

        cells, valids, js, per_chunk = [], [], [], []
        for c in range(2):
            j = lanes + 16 * c
            sl = pl.ds(16 * c, 16)
            bx = bx_v[sl]
            by = by_v[sl]
            bw = bw_v[sl]
            bh = bh_v[sl]
            cx = bx + bw * 0.5
            cy = by + bh * 0.5
            best_d = jnp.abs(bw - _AW[0]) + jnp.abs(bh - _AH[0])
            best_p = jnp.zeros((16,), jnp.int32)
            best_aw = jnp.full((16,), _AW[0], jnp.float32)
            best_ah = jnp.full((16,), _AH[0], jnp.float32)
            for ai in range(1, 9):
                dd = jnp.abs(bw - _AW[ai]) + jnp.abs(bh - _AH[ai])
                lt = dd < best_d
                best_d = jnp.where(lt, dd, best_d)
                best_p = jnp.where(lt, ai, best_p)
                best_aw = jnp.where(lt, _AW[ai], best_aw)
                best_ah = jnp.where(lt, _AH[ai], best_ah)
            s_i = (jnp.where(best_p >= 3, 1, 0)
                   + jnp.where(best_p >= 6, 1, 0)).astype(jnp.int32)
            a_i = best_p - 3 * s_i
            gi = jnp.where(s_i == 0, 64, jnp.where(s_i == 1, 32, 16))
            gf = gi.astype(jnp.float32)
            tx = cx * gf
            ty = cy * gf
            cj = tx.astype(jnp.int32)
            ci = ty.astype(jnp.int32)
            ux = tx - cj.astype(jnp.float32) + _EPS
            uy = ty - ci.astype(jnp.float32) + _EPS
            valid = ((cx >= 0.0) & (cy >= 0.0) & (ci < gi) & (cj < gi)
                     & (j < _N))
            base = jnp.where(s_i == 0, 0, jnp.where(s_i == 1, 12288, 15360))
            cell = base + (ci * gi + cj) * 3 + a_i
            cell = jnp.clip(cell, 0, _TAB - 1)
            cell = jnp.where(valid, cell, -1 - j)
            rl = ((i * gi + ci) * gi + cj) * 3 + a_i
            cell_v[sl] = cell
            cells.append(cell)
            valids.append(valid)
            js.append(j)
            per_chunk.append((s_i, ux, uy, bw / best_aw, bh / best_ah, rl))

        for c in range(2):
            hl = jnp.zeros((16,), jnp.int32)
            for s in range(1, _N):
                d = jnp.abs(cells[c] - cell_v[pl.ds(16 * c + s, 16)])
                hl = jnp.maximum(hl, 1 - jnp.minimum(d, 1))
            hl_v[pl.ds(16 * c, 16)] = hl

        for c in range(2):
            s_i, ux, uy, rw, rh, rl = per_chunk[c]
            win = valids[c] & (hl_v[pl.ds(16 * c, 16)] == 0)
            winf = jnp.where(win, 1.0, 0.0).astype(jnp.float32)
            sl = pl.ds(16 * c, 16)
            win_v[sl] = winf
            s_v[sl] = s_i
            ux_v[sl] = jnp.where(win, ux, 0.5)
            uy_v[sl] = jnp.where(win, uy, 0.5)
            rw_v[sl] = jnp.where(win, rw, 1.0)
            rh_v[sl] = jnp.where(win, rh, 1.0)
            idx0_v[sl] = jnp.clip(jnp.where(win & (s_i == 0), rl, 0), 0,
                                  _R0 - 1)
            idx1_v[sl] = jnp.clip(jnp.where(win & (s_i == 1), rl, 0), 0,
                                  _R1 - 1)
            idx2_v[sl] = jnp.clip(jnp.where(win & (s_i == 2), rl, 0), 0,
                                  _R2 - 1)

        pltpu.sync_copy(win_v, win_out.at[i])
        pltpu.sync_copy(s_v, s_out.at[i])
        pltpu.sync_copy(ux_v, ux_out.at[i])
        pltpu.sync_copy(uy_v, uy_out.at[i])
        pltpu.sync_copy(rw_v, rw_out.at[i])
        pltpu.sync_copy(rh_v, rh_out.at[i])
        pltpu.sync_copy(idx0_v, r0_out.at[i])
        pltpu.sync_copy(idx1_v, r1_out.at[i])
        pltpu.sync_copy(idx2_v, r2_out.at[i])


_sc_fn = functools.partial(
    pl.kernel,
    out_type=[
        jax.ShapeDtypeStruct((_B, _NP), jnp.float32),
        jax.ShapeDtypeStruct((_B, _NP), jnp.int32),
        jax.ShapeDtypeStruct((_B, _NP), jnp.float32),
        jax.ShapeDtypeStruct((_B, _NP), jnp.float32),
        jax.ShapeDtypeStruct((_B, _NP), jnp.float32),
        jax.ShapeDtypeStruct((_B, _NP), jnp.float32),
        jax.ShapeDtypeStruct((_B, _NP), jnp.int32),
        jax.ShapeDtypeStruct((_B, _NP), jnp.int32),
        jax.ShapeDtypeStruct((_B, _NP), jnp.int32),
    ],
    mesh=plsc.VectorSubcoreMesh(core_axis_name="c", subcore_axis_name="s"),
    scratch_types=[
        pltpu.VMEM((_NP,), jnp.float32),
        pltpu.VMEM((_NP,), jnp.float32),
        pltpu.VMEM((_NP,), jnp.float32),
        pltpu.VMEM((_NP,), jnp.float32),
        pltpu.VMEM((64,), jnp.int32),
        pltpu.VMEM((_NP,), jnp.int32),
        pltpu.VMEM((_NP,), jnp.float32),
        pltpu.VMEM((_NP,), jnp.int32),
        pltpu.VMEM((_NP,), jnp.float32),
        pltpu.VMEM((_NP,), jnp.float32),
        pltpu.VMEM((_NP,), jnp.float32),
        pltpu.VMEM((_NP,), jnp.float32),
        pltpu.VMEM((_NP,), jnp.int32),
        pltpu.VMEM((_NP,), jnp.int32),
        pltpu.VMEM((_NP,), jnp.int32),
        pltpu.SemaphoreType.DMA,
    ],
)(_sc_body)


def _softplus(x):
    return jnp.maximum(x, 0.0) + jnp.log1p(jnp.exp(-jnp.abs(x)))


def _dense_body(p0_ref, p1_ref, p2_ref, out_ref):
    @pl.when(pl.program_id(0) == 0)
    def _():
        out_ref[0, 0] = 0.0

    acc = jnp.sum(_softplus(p0_ref[:, 4]))
    acc += jnp.sum(_softplus(p1_ref[:, 4]))
    acc += jnp.sum(_softplus(p2_ref[:, 4]))
    out_ref[0, 0] += acc


_G = 48
_dense_fn = pl.pallas_call(
    _dense_body,
    grid=(_G,),
    in_specs=[
        pl.BlockSpec((_R0 // _G, 85), lambda g: (g, 0)),
        pl.BlockSpec((_R1 // _G, 85), lambda g: (g, 0)),
        pl.BlockSpec((_R2 // _G, 85), lambda g: (g, 0)),
    ],
    out_specs=pl.BlockSpec(memory_space=pltpu.SMEM),
    out_shape=jax.ShapeDtypeStruct((1, 1), jnp.float32),
)


def _combine_body(win_ref, s_ref, ux_ref, uy_ref, rw_ref, rh_ref, lab_ref,
                  r0_ref, r1_ref, r2_ref, d_ref, out_ref):
    win = win_ref[:, :]
    s = s_ref[:, :]
    rows = jnp.where(s == 0, r0_ref[:, :],
                     jnp.where(s == 1, r1_ref[:, :], r2_ref[:, :]))
    n_obj = jnp.sum(win)
    conf_sum = d_ref[0, 0] - jnp.sum(win * rows[:, 4:5])
    conf_loss = _LF * conf_sum / float(_TOT)

    tx = -jnp.log(1.0 / ux_ref[:, :] - 1.0)
    ty = -jnp.log(1.0 / uy_ref[:, :] - 1.0)
    tw = jnp.log(rw_ref[:, :])
    th = jnp.log(rh_ref[:, :])
    t4 = jnp.concatenate([tx, ty, tw, th], axis=1)
    coord_sum = jnp.sum(win * (rows[:, 0:4] - t4) ** 2)
    coord_loss = _LC * coord_sum / (n_obj * 4.0)

    xc = rows[:, 5:85]
    onehot = lax.broadcasted_iota(jnp.int32, (_B * _NP, _NC), 1) == lab_ref[:, :]
    x_lab = jnp.sum(jnp.where(onehot, xc, 0.0), axis=1, keepdims=True)
    sp_sum = jnp.sum(_softplus(xc), axis=1, keepdims=True)
    class_sum = jnp.sum(win * (sp_sum - x_lab))
    class_loss = _LS * class_sum / (n_obj * float(_NC))

    out_ref[0, 0] = coord_loss + conf_loss + class_loss
    out_ref[0, 1] = coord_loss
    out_ref[0, 2] = conf_loss
    out_ref[0, 3] = class_loss


_combine_fn = pl.pallas_call(
    _combine_body,
    in_specs=[pl.BlockSpec()] * 10 + [pl.BlockSpec(memory_space=pltpu.SMEM)],
    out_specs=pl.BlockSpec(memory_space=pltpu.SMEM),
    out_shape=jax.ShapeDtypeStruct((1, 4), jnp.float32),
)


def kernel(pred_s0, pred_s1, pred_s2, bboxes, labels):
    p0 = pred_s0.reshape(_R0, 85)
    p1 = pred_s1.reshape(_R1, 85)
    p2 = pred_s2.reshape(_R2, 85)
    bb = jnp.pad(jnp.transpose(bboxes, (2, 0, 1)), ((0, 0), (0, 0), (0, _NP - _N)))
    win, sidx, ux, uy, rw, rh, i0, i1, i2 = _sc_fn(bb, p0, p1, p2)
    d = _dense_fn(p0, p1, p2)
    lab = jnp.pad(labels.astype(jnp.int32), ((0, 0), (0, _NP - _N)))
    m = _B * _NP
    r0 = jnp.take(p0, i0.reshape(m), axis=0)
    r1 = jnp.take(p1, i1.reshape(m), axis=0)
    r2 = jnp.take(p2, i2.reshape(m), axis=0)
    out = _combine_fn(
        win.reshape(m, 1), sidx.reshape(m, 1), ux.reshape(m, 1),
        uy.reshape(m, 1), rw.reshape(m, 1), rh.reshape(m, 1),
        lab.reshape(m, 1), r0, r1, r2, d)
    return (out[0, 0], out[0, 1], out[0, 2], out[0, 3])

# --- scband reference (transcript-rebuilt; emitter-appended) ---
"""Pipeline reference for scband-yololoss-6339371729724 (READ-ONLY COPY).

The authoritative reference and input builder live on the scoring server;
editing this copy changes nothing except your own understanding.
"""

import jax, jax.numpy as jnp
import numpy as np

NUM_CLASSES = 80
ANCHORS = np.array([[0.02,0.03],[0.04,0.07],[0.08,0.06],[0.07,0.15],[0.15,0.11],[0.14,0.29],[0.28,0.22],[0.38,0.48],[0.90,0.78]], dtype=np.float32)
LAMBDA_COORD = 0.05
LAMBDA_CONF = 1.0
LAMBDA_CLS = 0.5


def setup_inputs(seed: int = 0):
    key = jax.random.key(seed)
    ks = jax.random.split(key, 6)
    pred_s0 = jax.random.normal(ks[0], (16, 64, 64, 3, 5 + NUM_CLASSES), dtype=jnp.float32)
    pred_s1 = jax.random.normal(ks[1], (16, 32, 32, 3, 5 + NUM_CLASSES), dtype=jnp.float32)
    pred_s2 = jax.random.normal(ks[2], (16, 16, 16, 3, 5 + NUM_CLASSES), dtype=jnp.float32)
    xy = jax.random.uniform(ks[3], (16, 20, 2), minval=0.05, maxval=0.75, dtype=jnp.float32)
    wh = jax.random.uniform(ks[4], (16, 20, 2), minval=0.02, maxval=0.20, dtype=jnp.float32)
    bboxes = jnp.concatenate([xy, wh], axis=-1)
    labels = jax.random.randint(ks[5], (16, 20), 0, NUM_CLASSES)
    return {"pred_s0": pred_s0, "pred_s1": pred_s1, "pred_s2": pred_s2, "bboxes": bboxes, "labels": labels}


def _build_targets_np(preds, bboxes, labels, anchors, num_classes):
    A = anchors.shape[0]
    S = len(preds)
    naps = A // S
    B = preds[0].shape[0]
    N = bboxes.shape[1]
    targets = [jnp.zeros((B, p.shape[1], p.shape[2], naps, 5 + num_classes), dtype=jnp.float32) for p in preds]
    # box_convert xywh -> cxcywh
    cxy = bboxes[..., :2] + bboxes[..., 2:] / 2.0
    wh = bboxes[..., 2:]
    prior_idx = jnp.abs(wh[:, :, None, :] - anchors[None, None, :, :]).sum(-1).argmin(-1)
    target_idx = prior_idx // naps
    a_idx = prior_idx % naps
    anchor_sel = anchors[prior_idx]
    grid_sizes = jnp.asarray([p.shape[2] for p in preds], dtype=jnp.float32)
    grid = grid_sizes[target_idx]
    cell_size = (1.0 / grid)[..., None]
    cell_ij = jnp.floor(cxy / cell_size).astype(jnp.int32)
    offsets = cell_ij.astype(jnp.float32) * cell_size
    eps = 1e-08
    txy = -jnp.log(1.0 / ((cxy - offsets) / cell_size + eps) - 1.0)
    twh = jnp.log(wh / anchor_sel)
    cls = jax.nn.one_hot(labels, num_classes, dtype=jnp.float32)
    tv = jnp.concatenate([txy, twh, jnp.ones((B, N, 1), dtype=jnp.float32), cls], axis=-1)
    ci_all = cell_ij[..., 1]
    cj_all = cell_ij[..., 0]

    def body(k, ts):
        i = k // N
        j = k % N
        v = tv[i, j]
        s_idx = target_idx[i, j]
        a = a_idx[i, j]
        ci = ci_all[i, j]
        cj = cj_all[i, j]
        out = []
        for s in range(S):
            g_h = preds[s].shape[1]
            g_w = preds[s].shape[2]
            # torch wraps the write in try/except -> out-of-range boxes are skipped
            write = (s_idx == s) & (ci >= 0) & (ci < g_h) & (cj >= 0) & (cj < g_w)
            cur = ts[s][i, ci, cj, a]
            out.append(ts[s].at[i, ci, cj, a].set(jnp.where(write, v, cur)))
        return tuple(out)

    targets = jax.lax.fori_loop(0, B * N, body, tuple(targets))
    return list(targets)


def _bce_with_logits_mean(x, y):
    return jnp.mean(jnp.maximum(x, 0.0) - x * y + jnp.log1p(jnp.exp(-jnp.abs(x))))


def _bce_with_logits_elem(x, y):
    return jnp.maximum(x, 0.0) - x * y + jnp.log1p(jnp.exp(-jnp.abs(x)))


def reference(pred_s0, pred_s1, pred_s2, bboxes, labels):
    preds = [pred_s0, pred_s1, pred_s2]
    C = NUM_CLASSES
    targets = _build_targets_np(preds, bboxes, labels, jnp.asarray(ANCHORS), C)
    target = jnp.concatenate([t.reshape(-1, 5 + C) for t in targets], axis=0)
    pred = jnp.concatenate([p.reshape(-1, 5 + C) for p in preds], axis=0)
    obj_mask = (target[:, 4] == 1.0).astype(jnp.float32)
    n_obj = jnp.sum(obj_mask)
    coord_loss = LAMBDA_COORD * (jnp.sum(((pred[:, :4] - target[:, :4]) ** 2) * obj_mask[:, None]) / (n_obj * 4.0))
    conf_loss = LAMBDA_CONF * _bce_with_logits_mean(pred[:, 4], target[:, 4])
    class_loss = LAMBDA_CLS * (jnp.sum(_bce_with_logits_elem(pred[:, 5:], target[:, 5:]) * obj_mask[:, None]) / (n_obj * C))
    loss = coord_loss + conf_loss + class_loss
    return (loss, coord_loss, conf_loss, class_loss)

if __name__ == "__main__":
    import jax
    _d = setup_inputs()
    print(jax.jit(kernel)(*tuple(_d.values())))

</pallas_src>

<mosaic_0001>
#map = affine_map<(d0, d1) -> (0, 0, 0)>
#map1 = affine_map<(d0, d1) -> (0, 0)>
module attributes {stable_mosaic.version = 14 : i64} {
  func.func @_sc_body(%arg0: i32, %arg1: i32, %arg2: memref<4x16x32xf32, #tpu.memory_space<hbm>>, %arg3: memref<196608x85xf32, #tpu.memory_space<hbm>>, %arg4: memref<49152x85xf32, #tpu.memory_space<hbm>>, %arg5: memref<12288x85xf32, #tpu.memory_space<hbm>>, %arg6: memref<16x32xf32, #tpu.memory_space<hbm>>, %arg7: memref<16x32xi32, #tpu.memory_space<hbm>>, %arg8: memref<16x32xf32, #tpu.memory_space<hbm>>, %arg9: memref<16x32xf32, #tpu.memory_space<hbm>>, %arg10: memref<16x32xf32, #tpu.memory_space<hbm>>, %arg11: memref<16x32xf32, #tpu.memory_space<hbm>>, %arg12: memref<16x32xi32, #tpu.memory_space<hbm>>, %arg13: memref<16x32xi32, #tpu.memory_space<hbm>>, %arg14: memref<16x32xi32, #tpu.memory_space<hbm>>, %arg15: memref<32xf32, #tpu.memory_space<vmem>>, %arg16: memref<32xf32, #tpu.memory_space<vmem>>, %arg17: memref<32xf32, #tpu.memory_space<vmem>>, %arg18: memref<32xf32, #tpu.memory_space<vmem>>, %arg19: memref<64xi32, #tpu.memory_space<vmem>>, %arg20: memref<32xi32, #tpu.memory_space<vmem>>, %arg21: memref<32xf32, #tpu.memory_space<vmem>>, %arg22: memref<32xi32, #tpu.memory_space<vmem>>, %arg23: memref<32xf32, #tpu.memory_space<vmem>>, %arg24: memref<32xf32, #tpu.memory_space<vmem>>, %arg25: memref<32xf32, #tpu.memory_space<vmem>>, %arg26: memref<32xf32, #tpu.memory_space<vmem>>, %arg27: memref<32xi32, #tpu.memory_space<vmem>>, %arg28: memref<32xi32, #tpu.memory_space<vmem>>, %arg29: memref<32xi32, #tpu.memory_space<vmem>>, %arg30: memref<!tpu.dma_semaphore, #tpu.memory_space<semaphore_mem>>) attributes {dimension_semantics = [#tpu.dimension_semantics<core_parallel>, #tpu.dimension_semantics<subcore_parallel>], iteration_bounds = array<i64: 2, 16>, scalar_prefetch = 0 : i64, scratch_operands = 16 : i64, tpu.core_type = #tpu.core_type<sc_vector_subcore>, window_params = [{transform_indices = #map}, {transform_indices = #map1}, {transform_indices = #map1}, {transform_indices = #map1}, {transform_indices = #map1}, {transform_indices = #map1}, {transform_indices = #map1}, {transform_indices = #map1}, {transform_indices = #map1}, {transform_indices = #map1}, {transform_indices = #map1}, {transform_indices = #map1}, {transform_indices = #map1}]} {
    %mul3A = arith.constant 2 : i32
    %mul3A_0 = arith.muli %arg1, %mul3A : i32
    %add3A = arith.addi %mul3A_0, %arg0 : i32
    %lt3A = arith.constant 16 : i32
    %lt3A_1 = arith.cmpi slt, %add3A, %lt3A : i32
    %convert_element_type3A = arith.extui %lt3A_1 : i1 to i32
    %cond3A = arith.constant 0 : i32
    %cond3A_2 = arith.cmpi ne, %convert_element_type3A, %cond3A : i32
    scf.if %cond3A_2 {
      %run_scoped3A = arith.constant 0 : i32
      "tpu.region"() ({
        %run_scoped3A_1291 = tpu.sem_alloc : memref<!tpu.dma_semaphore, #tpu.memory_space<semaphore_mem>>
        %dma_start3A = arith.constant 0 : i32
        %dma_start3A_1292 = tpu.memref_slice %arg2[%run_scoped3A, %add3A, %dma_start3A] : memref<4x16x32xf32, #tpu.memory_space<hbm>> -> memref<1x1x32xf32, #tpu.memory_space<hbm>>
        %dma_start3A_1293 = tpu.memref_squeeze %dma_start3A_1292 : memref<1x1x32xf32, #tpu.memory_space<hbm>> -> memref<32xf32, #tpu.memory_space<hbm>>
        %dma_start3A_1294 = arith.constant 0 : i32
        %dma_start3A_1295 = tpu.memref_slice %arg2[%run_scoped3A, %add3A, %dma_start3A_1294] : memref<4x16x32xf32, #tpu.memory_space<hbm>> -> memref<1x1x32xf32, #tpu.memory_space<hbm>>
        %dma_start3A_1296 = tpu.memref_squeeze %dma_start3A_1295 : memref<1x1x32xf32, #tpu.memory_space<hbm>> -> memref<32xf32, #tpu.memory_space<hbm>>
        tpu.enqueue_dma source(%dma_start3A_1296 : memref<32xf32, #tpu.memory_space<hbm>>) target(%arg15 : memref<32xf32, #tpu.memory_space<vmem>>) target_semaphore(%run_scoped3A_1291 : memref<!tpu.dma_semaphore, #tpu.memory_space<semaphore_mem>>)
        %dma_wait3A = arith.constant 0 : i32
        %dma_wait3A_1297 = tpu.memref_slice %arg2[%run_scoped3A, %add3A, %dma_wait3A] : memref<4x16x32xf32, #tpu.memory_space<hbm>> -> memref<1x1x32xf32, #tpu.memory_space<hbm>>
        %dma_wait3A_1298 = tpu.memref_squeeze %dma_wait3A_1297 : memref<1x1x32xf32, #tpu.memory_space<hbm>> -> memref<32xf32, #tpu.memory_space<hbm>>
        %dma_wait3A_1299 = arith.constant 0 : i32
        %dma_wait3A_1300 = tpu.memref_slice %arg2[%run_scoped3A, %add3A, %dma_wait3A_1299] : memref<4x16x32xf32, #tpu.memory_space<hbm>> -> memref<1x1x32xf32, #tpu.memory_space<hbm>>
        %dma_wait3A_1301 = tpu.memref_squeeze %dma_wait3A_1300 : memref<1x1x32xf32, #tpu.memory_space<hbm>> -> memref<32xf32, #tpu.memory_space<hbm>>
        tpu.wait_dma2 semaphore(%run_scoped3A_1291 : memref<!tpu.dma_semaphore, #tpu.memory_space<semaphore_mem>>) src(%dma_wait3A_1301 : memref<32xf32, #tpu.memory_space<hbm>>) dst(%arg15 : memref<32xf32, #tpu.memory_space<vmem>>)
        tpu.yield
      }) : () -> ()
      %run_scoped3A_3 = arith.constant 1 : i32
      "tpu.region"() ({
        %run_scoped3A_1291 = tpu.sem_alloc : memref<!tpu.dma_semaphore, #tpu.memory_space<semaphore_mem>>
        %dma_start3A = arith.constant 0 : i32
        %dma_start3A_1292 = tpu.memref_slice %arg2[%run_scoped3A_3, %add3A, %dma_start3A] : memref<4x16x32xf32, #tpu.memory_space<hbm>> -> memref<1x1x32xf32, #tpu.memory_space<hbm>>
        %dma_start3A_1293 = tpu.memref_squeeze %dma_start3A_1292 : memref<1x1x32xf32, #tpu.memory_space<hbm>> -> memref<32xf32, #tpu.memory_space<hbm>>
        %dma_start3A_1294 = arith.constant 0 : i32
        %dma_start3A_1295 = tpu.memref_slice %arg2[%run_scoped3A_3, %add3A, %dma_start3A_1294] : memref<4x16x32xf32, #tpu.memory_space<hbm>> -> memref<1x1x32xf32, #tpu.memory_space<hbm>>
        %dma_start3A_1296 = tpu.memref_squeeze %dma_start3A_1295 : memref<1x1x32xf32, #tpu.memory_space<hbm>> -> memref<32xf32, #tpu.memory_space<hbm>>
        tpu.enqueue_dma source(%dma_start3A_1296 : memref<32xf32, #tpu.memory_space<hbm>>) target(%arg16 : memref<32xf32, #tpu.memory_space<vmem>>) target_semaphore(%run_scoped3A_1291 : memref<!tpu.dma_semaphore, #tpu.memory_space<semaphore_mem>>)
        %dma_wait3A = arith.constant 0 : i32
        %dma_wait3A_1297 = tpu.memref_slice %arg2[%run_scoped3A_3, %add3A, %dma_wait3A] : memref<4x16x32xf32, #tpu.memory_space<hbm>> -> memref<1x1x32xf32, #tpu.memory_space<hbm>>
        %dma_wait3A_1298 = tpu.memref_squeeze %dma_wait3A_1297 : memref<1x1x32xf32, #tpu.memory_space<hbm>> -> memref<32xf32, #tpu.memory_space<hbm>>
        %dma_wait3A_1299 = arith.constant 0 : i32
        %dma_wait3A_1300 = tpu.memref_slice %arg2[%run_scoped3A_3, %add3A, %dma_wait3A_1299] : memref<4x16x32xf32, #tpu.memory_space<hbm>> -> memref<1x1x32xf32, #tpu.memory_space<hbm>>
        %dma_wait3A_1301 = tpu.memref_squeeze %dma_wait3A_1300 : memref<1x1x32xf32, #tpu.memory_space<hbm>> -> memref<32xf32, #tpu.memory_space<hbm>>
        tpu.wait_dma2 semaphore(%run_scoped3A_1291 : memref<!tpu.dma_semaphore, #tpu.memory_space<semaphore_mem>>) src(%dma_wait3A_1301 : memref<32xf32, #tpu.memory_space<hbm>>) dst(%arg16 : memref<32xf32, #tpu.memory_space<vmem>>)
        tpu.yield
      }) : () -> ()
      %run_scoped3A_4 = arith.constant 2 : i32
      "tpu.region"() ({
        %run_scoped3A_1291 = tpu.sem_alloc : memref<!tpu.dma_semaphore, #tpu.memory_space<semaphore_mem>>
        %dma_start3A = arith.constant 0 : i32
        %dma_start3A_1292 = tpu.memref_slice %arg2[%run_scoped3A_4, %add3A, %dma_start3A] : memref<4x16x32xf32, #tpu.memory_space<hbm>> -> memref<1x1x32xf32, #tpu.memory_space<hbm>>
        %dma_start3A_1293 = tpu.memref_squeeze %dma_start3A_1292 : memref<1x1x32xf32, #tpu.memory_space<hbm>> -> memref<32xf32, #tpu.memory_space<hbm>>
        %dma_start3A_1294 = arith.constant 0 : i32
        %dma_start3A_1295 = tpu.memref_slice %arg2[%run_scoped3A_4, %add3A, %dma_start3A_1294] : memref<4x16x32xf32, #tpu.memory_space<hbm>> -> memref<1x1x32xf32, #tpu.memory_space<hbm>>
        %dma_start3A_1296 = tpu.memref_squeeze %dma_start3A_1295 : memref<1x1x32xf32, #tpu.memory_space<hbm>> -> memref<32xf32, #tpu.memory_space<hbm>>
        tpu.enqueue_dma source(%dma_start3A_1296 : memref<32xf32, #tpu.memory_space<hbm>>) target(%arg17 : memref<32xf32, #tpu.memory_space<vmem>>) target_semaphore(%run_scoped3A_1291 : memref<!tpu.dma_semaphore, #tpu.memory_space<semaphore_mem>>)
        %dma_wait3A = arith.constant 0 : i32
        %dma_wait3A_1297 = tpu.memref_slice %arg2[%run_scoped3A_4, %add3A, %dma_wait3A] : memref<4x16x32xf32, #tpu.memory_space<hbm>> -> memref<1x1x32xf32, #tpu.memory_space<hbm>>
        %dma_wait3A_1298 = tpu.memref_squeeze %dma_wait3A_1297 : memref<1x1x32xf32, #tpu.memory_space<hbm>> -> memref<32xf32, #tpu.memory_space<hbm>>
        %dma_wait3A_1299 = arith.constant 0 : i32
        %dma_wait3A_1300 = tpu.memref_slice %arg2[%run_scoped3A_4, %add3A, %dma_wait3A_1299] : memref<4x16x32xf32, #tpu.memory_space<hbm>> -> memref<1x1x32xf32, #tpu.memory_space<hbm>>
        %dma_wait3A_1301 = tpu.memref_squeeze %dma_wait3A_1300 : memref<1x1x32xf32, #tpu.memory_space<hbm>> -> memref<32xf32, #tpu.memory_space<hbm>>
        tpu.wait_dma2 semaphore(%run_scoped3A_1291 : memref<!tpu.dma_semaphore, #tpu.memory_space<semaphore_mem>>) src(%dma_wait3A_1301 : memref<32xf32, #tpu.memory_space<hbm>>) dst(%arg17 : memref<32xf32, #tpu.memory_space<vmem>>)
        tpu.yield
      }) : () -> ()
      %run_scoped3A_5 = arith.constant 3 : i32
      "tpu.region"() ({
        %run_scoped3A_1291 = tpu.sem_alloc : memref<!tpu.dma_semaphore, #tpu.memory_space<semaphore_mem>>
        %dma_start3A = arith.constant 0 : i32
        %dma_start3A_1292 = tpu.memref_slice %arg2[%run_scoped3A_5, %add3A, %dma_start3A] : memref<4x16x32xf32, #tpu.memory_space<hbm>> -> memref<1x1x32xf32, #tpu.memory_space<hbm>>
        %dma_start3A_1293 = tpu.memref_squeeze %dma_start3A_1292 : memref<1x1x32xf32, #tpu.memory_space<hbm>> -> memref<32xf32, #tpu.memory_space<hbm>>
        %dma_start3A_1294 = arith.constant 0 : i32
        %dma_start3A_1295 = tpu.memref_slice %arg2[%run_scoped3A_5, %add3A, %dma_start3A_1294] : memref<4x16x32xf32, #tpu.memory_space<hbm>> -> memref<1x1x32xf32, #tpu.memory_space<hbm>>
        %dma_start3A_1296 = tpu.memref_squeeze %dma_start3A_1295 : memref<1x1x32xf32, #tpu.memory_space<hbm>> -> memref<32xf32, #tpu.memory_space<hbm>>
        tpu.enqueue_dma source(%dma_start3A_1296 : memref<32xf32, #tpu.memory_space<hbm>>) target(%arg18 : memref<32xf32, #tpu.memory_space<vmem>>) target_semaphore(%run_scoped3A_1291 : memref<!tpu.dma_semaphore, #tpu.memory_space<semaphore_mem>>)
        %dma_wait3A = arith.constant 0 : i32
        %dma_wait3A_1297 = tpu.memref_slice %arg2[%run_scoped3A_5, %add3A, %dma_wait3A] : memref<4x16x32xf32, #tpu.memory_space<hbm>> -> memref<1x1x32xf32, #tpu.memory_space<hbm>>
        %dma_wait3A_1298 = tpu.memref_squeeze %dma_wait3A_1297 : memref<1x1x32xf32, #tpu.memory_space<hbm>> -> memref<32xf32, #tpu.memory_space<hbm>>
        %dma_wait3A_1299 = arith.constant 0 : i32
        %dma_wait3A_1300 = tpu.memref_slice %arg2[%run_scoped3A_5, %add3A, %dma_wait3A_1299] : memref<4x16x32xf32, #tpu.memory_space<hbm>> -> memref<1x1x32xf32, #tpu.memory_space<hbm>>
        %dma_wait3A_1301 = tpu.memref_squeeze %dma_wait3A_1300 : memref<1x1x32xf32, #tpu.memory_space<hbm>> -> memref<32xf32, #tpu.memory_space<hbm>>
        tpu.wait_dma2 semaphore(%run_scoped3A_1291 : memref<!tpu.dma_semaphore, #tpu.memory_space<semaphore_mem>>) src(%dma_wait3A_1301 : memref<32xf32, #tpu.memory_space<hbm>>) dst(%arg18 : memref<32xf32, #tpu.memory_space<vmem>>)
        tpu.yield
      }) : () -> ()
      %iota3A = tpu.iota {dimensions = array<i32: 0>} : vector<16xi32>
      %sub3A = arith.constant -1000 : i32
      %sub3A_6 = vector.broadcast %sub3A : i32 to vector<16xi32>
      %sub3A_7 = arith.subi %sub3A_6, %iota3A : vector<16xi32>
      %swap3A = arith.constant 32 : index
      %swap3A_8 = tpu.vector_load %arg19[%swap3A] {strides = array<i32>} : memref<64xi32, #tpu.memory_space<vmem>>, vector<16xi32>,
      %swap3A_9 = vector.shape_cast %swap3A_8 : vector<16xi32> to vector<16xi32>
      %swap3A_10 = vector.shape_cast %sub3A_7 : vector<16xi32> to vector<16xi32>
      tpu.vector_store %arg19[%swap3A], %swap3A_10 {strides = array<i32>} : memref<64xi32, #tpu.memory_space<vmem>>, vector<16xi32>,
      %sub3A_11 = arith.constant -2000 : i32
      %sub3A_12 = vector.broadcast %sub3A_11 : i32 to vector<16xi32>
      %sub3A_13 = arith.subi %sub3A_12, %iota3A : vector<16xi32>
      %swap3A_14 = arith.constant 48 : index
      %swap3A_15 = tpu.vector_load %arg19[%swap3A_14] {strides = array<i32>} : memref<64xi32, #tpu.memory_space<vmem>>, vector<16xi32>,
      %swap3A_16 = vector.shape_cast %swap3A_15 : vector<16xi32> to vector<16xi32>
      %swap3A_17 = vector.shape_cast %sub3A_13 : vector<16xi32> to vector<16xi32>
      tpu.vector_store %arg19[%swap3A_14], %swap3A_17 {strides = array<i32>} : memref<64xi32, #tpu.memory_space<vmem>>, vector<16xi32>,
      %add3A_18 = arith.constant 0 : i32
      %add3A_19 = vector.broadcast %add3A_18 : i32 to vector<16xi32>
      %add3A_20 = arith.addi %iota3A, %add3A_19 : vector<16xi32>
      %get3A = arith.constant 0 : index
      %get3A_21 = tpu.vector_load %arg15[%get3A] {strides = array<i32>} : memref<32xf32, #tpu.memory_space<vmem>>, vector<16xf32>,
      %get3A_22 = vector.shape_cast %get3A_21 : vector<16xf32> to vector<16xf32>
      %get3A_23 = arith.constant 0 : index
      %get3A_24 = tpu.vector_load %arg16[%get3A_23] {strides = array<i32>} : memref<32xf32, #tpu.memory_space<vmem>>, vector<16xf32>,
      %get3A_25 = vector.shape_cast %get3A_24 : vector<16xf32> to vector<16xf32>
      %get3A_26 = arith.constant 0 : index
      %get3A_27 = tpu.vector_load %arg17[%get3A_26] {strides = array<i32>} : memref<32xf32, #tpu.memory_space<vmem>>, vector<16xf32>,
      %get3A_28 = vector.shape_cast %get3A_27 : vector<16xf32> to vector<16xf32>
      %get3A_29 = arith.constant 0 : index
      %get3A_30 = tpu.vector_load %arg18[%get3A_29] {strides = array<i32>} : memref<32xf32, #tpu.memory_space<vmem>>, vector<16xf32>,
      %get3A_31 = vector.shape_cast %get3A_30 : vector<16xf32> to vector<16xf32>
      %mul3A_32 = arith.constant 5.000000e-01 : f32
      %mul3A_33 = vector.broadcast %mul3A_32 : f32 to vector<16xf32>
      %mul3A_34 = arith.mulf %get3A_28, %mul3A_33 : vector<16xf32>
      %add3A_35 = arith.addf %get3A_22, %mul3A_34 : vector<16xf32>
      %mul3A_36 = arith.constant 5.000000e-01 : f32
      %mul3A_37 = vector.broadcast %mul3A_36 : f32 to vector<16xf32>
      %mul3A_38 = arith.mulf %get3A_31, %mul3A_37 : vector<16xf32>
      %add3A_39 = arith.addf %get3A_25, %mul3A_38 : vector<16xf32>
      %sub3A_40 = arith.constant 2.000000e-02 : f32
      %sub3A_41 = vector.broadcast %sub3A_40 : f32 to vector<16xf32>
      %sub3A_42 = arith.subf %get3A_28, %sub3A_41 : vector<16xf32>
      %abs3A = math.absf %sub3A_42 : vector<16xf32>
      %sub3A_43 = arith.constant 3.000000e-02 : f32
      %sub3A_44 = vector.broadcast %sub3A_43 : f32 to vector<16xf32>
      %sub3A_45 = arith.subf %get3A_31, %sub3A_44 : vector<16xf32>
      %abs3A_46 = math.absf %sub3A_45 : vector<16xf32>
      %add3A_47 = arith.addf %abs3A, %abs3A_46 : vector<16xf32>
      %broadcast_in_dim3A = arith.constant 0 : i32
      %broadcast_in_dim3A_48 = vector.broadcast %broadcast_in_dim3A : i32 to vector<16xi32>
      %broadcast_in_dim3A_49 = arith.constant 2.000000e-02 : f32
      %broadcast_in_dim3A_50 = vector.broadcast %broadcast_in_dim3A_49 : f32 to vector<16xf32>
      %broadcast_in_dim3A_51 = arith.constant 3.000000e-02 : f32
      %broadcast_in_dim3A_52 = vector.broadcast %broadcast_in_dim3A_51 : f32 to vector<16xf32>
      %sub3A_53 = arith.constant 4.000000e-02 : f32
      %sub3A_54 = vector.broadcast %sub3A_53 : f32 to vector<16xf32>
      %sub3A_55 = arith.subf %get3A_28, %sub3A_54 : vector<16xf32>
      %abs3A_56 = math.absf %sub3A_55 : vector<16xf32>
      %sub3A_57 = arith.constant 7.000000e-02 : f32
      %sub3A_58 = vector.broadcast %sub3A_57 : f32 to vector<16xf32>
      %sub3A_59 = arith.subf %get3A_31, %sub3A_58 : vector<16xf32>
      %abs3A_60 = math.absf %sub3A_59 : vector<16xf32>
      %add3A_61 = arith.addf %abs3A_56, %abs3A_60 : vector<16xf32>
      %lt3A_62 = arith.cmpf olt, %add3A_61, %add3A_47 : vector<16xf32>
      %select_n3A = arith.select %lt3A_62, %add3A_61, %add3A_47 : vector<16xi1>, vector<16xf32>
      %jit3A = arith.constant 1 : i32
      %broadcast_in_dim3A_63 = vector.broadcast %jit3A : i32 to vector<16xi32>
      %select_n3A_64 = arith.select %lt3A_62, %broadcast_in_dim3A_63, %broadcast_in_dim3A_48 : vector<16xi1>, vector<16xi32>
      %jit3A_65 = arith.constant 4.000000e-02 : f32
      %broadcast_in_dim3A_66 = vector.broadcast %jit3A_65 : f32 to vector<16xf32>
      %select_n3A_67 = arith.select %lt3A_62, %broadcast_in_dim3A_66, %broadcast_in_dim3A_50 : vector<16xi1>, vector<16xf32>
      %jit3A_68 = arith.constant 7.000000e-02 : f32
      %broadcast_in_dim3A_69 = vector.broadcast %jit3A_68 : f32 to vector<16xf32>
      %select_n3A_70 = arith.select %lt3A_62, %broadcast_in_dim3A_69, %broadcast_in_dim3A_52 : vector<16xi1>, vector<16xf32>
      %sub3A_71 = arith.constant 8.000000e-02 : f32
      %sub3A_72 = vector.broadcast %sub3A_71 : f32 to vector<16xf32>
      %sub3A_73 = arith.subf %get3A_28, %sub3A_72 : vector<16xf32>
      %abs3A_74 = math.absf %sub3A_73 : vector<16xf32>
      %sub3A_75 = arith.constant 6.000000e-02 : f32
      %sub3A_76 = vector.broadcast %sub3A_75 : f32 to vector<16xf32>
      %sub3A_77 = arith.subf %get3A_31, %sub3A_76 : vector<16xf32>
      %abs3A_78 = math.absf %sub3A_77 : vector<16xf32>
      %add3A_79 = arith.addf %abs3A_74, %abs3A_78 : vector<16xf32>
      %lt3A_80 = arith.cmpf olt, %add3A_79, %select_n3A : vector<16xf32>
      %select_n3A_81 = arith.select %lt3A_80, %add3A_79, %select_n3A : vector<16xi1>, vector<16xf32>
      %jit3A_82 = arith.constant 2 : i32
      %broadcast_in_dim3A_83 = vector.broadcast %jit3A_82 : i32 to vector<16xi32>
      %select_n3A_84 = arith.select %lt3A_80, %broadcast_in_dim3A_83, %select_n3A_64 : vector<16xi1>, vector<16xi32>
      %jit3A_85 = arith.constant 8.000000e-02 : f32
      %broadcast_in_dim3A_86 = vector.broadcast %jit3A_85 : f32 to vector<16xf32>
      %select_n3A_87 = arith.select %lt3A_80, %broadcast_in_dim3A_86, %select_n3A_67 : vector<16xi1>, vector<16xf32>
      %jit3A_88 = arith.constant 6.000000e-02 : f32
      %broadcast_in_dim3A_89 = vector.broadcast %jit3A_88 : f32 to vector<16xf32>
      %select_n3A_90 = arith.select %lt3A_80, %broadcast_in_dim3A_89, %select_n3A_70 : vector<16xi1>, vector<16xf32>
      %sub3A_91 = arith.constant 7.000000e-02 : f32
      %sub3A_92 = vector.broadcast %sub3A_91 : f32 to vector<16xf32>
      %sub3A_93 = arith.subf %get3A_28, %sub3A_92 : vector<16xf32>
      %abs3A_94 = math.absf %sub3A_93 : vector<16xf32>
      %sub3A_95 = arith.constant 1.500000e-01 : f32
      %sub3A_96 = vector.broadcast %sub3A_95 : f32 to vector<16xf32>
      %sub3A_97 = arith.subf %get3A_31, %sub3A_96 : vector<16xf32>
      %abs3A_98 = math.absf %sub3A_97 : vector<16xf32>
      %add3A_99 = arith.addf %abs3A_94, %abs3A_98 : vector<16xf32>
      %lt3A_100 = arith.cmpf olt, %add3A_99, %select_n3A_81 : vector<16xf32>
      %select_n3A_101 = arith.select %lt3A_100, %add3A_99, %select_n3A_81 : vector<16xi1>, vector<16xf32>
      %jit3A_102 = arith.constant 3 : i32
      %broadcast_in_dim3A_103 = vector.broadcast %jit3A_102 : i32 to vector<16xi32>
      %select_n3A_104 = arith.select %lt3A_100, %broadcast_in_dim3A_103, %select_n3A_84 : vector<16xi1>, vector<16xi32>
      %jit3A_105 = arith.constant 7.000000e-02 : f32
      %broadcast_in_dim3A_106 = vector.broadcast %jit3A_105 : f32 to vector<16xf32>
      %select_n3A_107 = arith.select %lt3A_100, %broadcast_in_dim3A_106, %select_n3A_87 : vector<16xi1>, vector<16xf32>
      %jit3A_108 = arith.constant 1.500000e-01 : f32
      %broadcast_in_dim3A_109 = vector.broadcast %jit3A_108 : f32 to vector<16xf32>
      %select_n3A_110 = arith.select %lt3A_100, %broadcast_in_dim3A_109, %select_n3A_90 : vector<16xi1>, vector<16xf32>
      %sub3A_111 = arith.constant 1.500000e-01 : f32
      %sub3A_112 = vector.broadcast %sub3A_111 : f32 to vector<16xf32>
      %sub3A_113 = arith.subf %get3A_28, %sub3A_112 : vector<16xf32>
      %abs3A_114 = math.absf %sub3A_113 : vector<16xf32>
      %sub3A_115 = arith.constant 1.100000e-01 : f32
      %sub3A_116 = vector.broadcast %sub3A_115 : f32 to vector<16xf32>
      %sub3A_117 = arith.subf %get3A_31, %sub3A_116 : vector<16xf32>
      %abs3A_118 = math.absf %sub3A_117 : vector<16xf32>
      %add3A_119 = arith.addf %abs3A_114, %abs3A_118 : vector<16xf32>
      %lt3A_120 = arith.cmpf olt, %add3A_119, %select_n3A_101 : vector<16xf32>
      %select_n3A_121 = arith.select %lt3A_120, %add3A_119, %select_n3A_101 : vector<16xi1>, vector<16xf32>
      %jit3A_122 = arith.constant 4 : i32
      %broadcast_in_dim3A_123 = vector.broadcast %jit3A_122 : i32 to vector<16xi32>
      %select_n3A_124 = arith.select %lt3A_120, %broadcast_in_dim3A_123, %select_n3A_104 : vector<16xi1>, vector<16xi32>
      %jit3A_125 = arith.constant 1.500000e-01 : f32
      %broadcast_in_dim3A_126 = vector.broadcast %jit3A_125 : f32 to vector<16xf32>
      %select_n3A_127 = arith.select %lt3A_120, %broadcast_in_dim3A_126, %select_n3A_107 : vector<16xi1>, vector<16xf32>
      %jit3A_128 = arith.constant 1.100000e-01 : f32
      %broadcast_in_dim3A_129 = vector.broadcast %jit3A_128 : f32 to vector<16xf32>
      %select_n3A_130 = arith.select %lt3A_120, %broadcast_in_dim3A_129, %select_n3A_110 : vector<16xi1>, vector<16xf32>
      %sub3A_131 = arith.constant 1.400000e-01 : f32
      %sub3A_132 = vector.broadcast %sub3A_131 : f32 to vector<16xf32>
      %sub3A_133 = arith.subf %get3A_28, %sub3A_132 : vector<16xf32>
      %abs3A_134 = math.absf %sub3A_133 : vector<16xf32>
      %sub3A_135 = arith.constant 2.900000e-01 : f32
      %sub3A_136 = vector.broadcast %sub3A_135 : f32 to vector<16xf32>
      %sub3A_137 = arith.subf %get3A_31, %sub3A_136 : vector<16xf32>
      %abs3A_138 = math.absf %sub3A_137 : vector<16xf32>
      %add3A_139 = arith.addf %abs3A_134, %abs3A_138 : vector<16xf32>
      %lt3A_140 = arith.cmpf olt, %add3A_139, %select_n3A_121 : vector<16xf32>
      %select_n3A_141 = arith.select %lt3A_140, %add3A_139, %select_n3A_121 : vector<16xi1>, vector<16xf32>
      %jit3A_142 = arith.constant 5 : i32
      %broadcast_in_dim3A_143 = vector.broadcast %jit3A_142 : i32 to vector<16xi32>
      %select_n3A_144 = arith.select %lt3A_140, %broadcast_in_dim3A_143, %select_n3A_124 : vector<16xi1>, vector<16xi32>
      %jit3A_145 = arith.constant 1.400000e-01 : f32
      %broadcast_in_dim3A_146 = vector.broadcast %jit3A_145 : f32 to vector<16xf32>
      %select_n3A_147 = arith.select %lt3A_140, %broadcast_in_dim3A_146, %select_n3A_127 : vector<16xi1>, vector<16xf32>
      %jit3A_148 = arith.constant 2.900000e-01 : f32
      %broadcast_in_dim3A_149 = vector.broadcast %jit3A_148 : f32 to vector<16xf32>
      %select_n3A_150 = arith.select %lt3A_140, %broadcast_in_dim3A_149, %select_n3A_130 : vector<16xi1>, vector<16xf32>
      %sub3A_151 = arith.constant 2.800000e-01 : f32
      %sub3A_152 = vector.broadcast %sub3A_151 : f32 to vector<16xf32>
      %sub3A_153 = arith.subf %get3A_28, %sub3A_152 : vector<16xf32>
      %abs3A_154 = math.absf %sub3A_153 : vector<16xf32>
      %sub3A_155 = arith.constant 2.200000e-01 : f32
      %sub3A_156 = vector.broadcast %sub3A_155 : f32 to vector<16xf32>
      %sub3A_157 = arith.subf %get3A_31, %sub3A_156 : vector<16xf32>
      %abs3A_158 = math.absf %sub3A_157 : vector<16xf32>
      %add3A_159 = arith.addf %abs3A_154, %abs3A_158 : vector<16xf32>
      %lt3A_160 = arith.cmpf olt, %add3A_159, %select_n3A_141 : vector<16xf32>
      %select_n3A_161 = arith.select %lt3A_160, %add3A_159, %select_n3A_141 : vector<16xi1>, vector<16xf32>
      %jit3A_162 = arith.constant 6 : i32
      %broadcast_in_dim3A_163 = vector.broadcast %jit3A_162 : i32 to vector<16xi32>
      %select_n3A_164 = arith.select %lt3A_160, %broadcast_in_dim3A_163, %select_n3A_144 : vector<16xi1>, vector<16xi32>
      %jit3A_165 = arith.constant 2.800000e-01 : f32
      %broadcast_in_dim3A_166 = vector.broadcast %jit3A_165 : f32 to vector<16xf32>
      %select_n3A_167 = arith.select %lt3A_160, %broadcast_in_dim3A_166, %select_n3A_147 : vector<16xi1>, vector<16xf32>
      %jit3A_168 = arith.constant 2.200000e-01 : f32
      %broadcast_in_dim3A_169 = vector.broadcast %jit3A_168 : f32 to vector<16xf32>
      %select_n3A_170 = arith.select %lt3A_160, %broadcast_in_dim3A_169, %select_n3A_150 : vector<16xi1>, vector<16xf32>
      %sub3A_171 = arith.constant 3.800000e-01 : f32
      %sub3A_172 = vector.broadcast %sub3A_171 : f32 to vector<16xf32>
      %sub3A_173 = arith.subf %get3A_28, %sub3A_172 : vector<16xf32>
      %abs3A_174 = math.absf %sub3A_173 : vector<16xf32>
      %sub3A_175 = arith.constant 4.800000e-01 : f32
      %sub3A_176 = vector.broadcast %sub3A_175 : f32 to vector<16xf32>
      %sub3A_177 = arith.subf %get3A_31, %sub3A_176 : vector<16xf32>
      %abs3A_178 = math.absf %sub3A_177 : vector<16xf32>
      %add3A_179 = arith.addf %abs3A_174, %abs3A_178 : vector<16xf32>
      %lt3A_180 = arith.cmpf olt, %add3A_179, %select_n3A_161 : vector<16xf32>
      %select_n3A_181 = arith.select %lt3A_180, %add3A_179, %select_n3A_161 : vector<16xi1>, vector<16xf32>
      %jit3A_182 = arith.constant 7 : i32
      %broadcast_in_dim3A_183 = vector.broadcast %jit3A_182 : i32 to vector<16xi32>
      %select_n3A_184 = arith.select %lt3A_180, %broadcast_in_dim3A_183, %select_n3A_164 : vector<16xi1>, vector<16xi32>
      %jit3A_185 = arith.constant 3.800000e-01 : f32
      %broadcast_in_dim3A_186 = vector.broadcast %jit3A_185 : f32 to vector<16xf32>
      %select_n3A_187 = arith.select %lt3A_180, %broadcast_in_dim3A_186, %select_n3A_167 : vector<16xi1>, vector<16xf32>
      %jit3A_188 = arith.constant 4.800000e-01 : f32
      %broadcast_in_dim3A_189 = vector.broadcast %jit3A_188 : f32 to vector<16xf32>
      %select_n3A_190 = arith.select %lt3A_180, %broadcast_in_dim3A_189, %select_n3A_170 : vector<16xi1>, vector<16xf32>
      %sub3A_191 = arith.constant 0.899999976 : f32
      %sub3A_192 = vector.broadcast %sub3A_191 : f32 to vector<16xf32>
      %sub3A_193 = arith.subf %get3A_28, %sub3A_192 : vector<16xf32>
      %abs3A_194 = math.absf %sub3A_193 : vector<16xf32>
      %sub3A_195 = arith.constant 7.800000e-01 : f32
      %sub3A_196 = vector.broadcast %sub3A_195 : f32 to vector<16xf32>
      %sub3A_197 = arith.subf %get3A_31, %sub3A_196 : vector<16xf32>
      %abs3A_198 = math.absf %sub3A_197 : vector<16xf32>
      %add3A_199 = arith.addf %abs3A_194, %abs3A_198 : vector<16xf32>
      %lt3A_200 = arith.cmpf olt, %add3A_199, %select_n3A_181 : vector<16xf32>
      %select_n3A_201 = arith.select %lt3A_200, %add3A_199, %select_n3A_181 : vector<16xi1>, vector<16xf32>
      %jit3A_202 = arith.constant 8 : i32
      %broadcast_in_dim3A_203 = vector.broadcast %jit3A_202 : i32 to vector<16xi32>
      %select_n3A_204 = arith.select %lt3A_200, %broadcast_in_dim3A_203, %select_n3A_184 : vector<16xi1>, vector<16xi32>
      %jit3A_205 = arith.constant 0.899999976 : f32
      %broadcast_in_dim3A_206 = vector.broadcast %jit3A_205 : f32 to vector<16xf32>
      %select_n3A_207 = arith.select %lt3A_200, %broadcast_in_dim3A_206, %select_n3A_187 : vector<16xi1>, vector<16xf32>
      %jit3A_208 = arith.constant 7.800000e-01 : f32
      %broadcast_in_dim3A_209 = vector.broadcast %jit3A_208 : f32 to vector<16xf32>
      %select_n3A_210 = arith.select %lt3A_200, %broadcast_in_dim3A_209, %select_n3A_190 : vector<16xi1>, vector<16xf32>
      %ge3A = arith.constant 3 : i32
      %ge3A_211 = vector.broadcast %ge3A : i32 to vector<16xi32>
      %ge3A_212 = arith.cmpi sge, %select_n3A_204, %ge3A_211 : vector<16xi32>
      %jit3A_213 = arith.constant 1 : i32
      %jit3A_214 = arith.constant 0 : i32
      %broadcast_in_dim3A_215 = vector.broadcast %jit3A_213 : i32 to vector<16xi32>
      %broadcast_in_dim3A_216 = vector.broadcast %jit3A_214 : i32 to vector<16xi32>
      %select_n3A_217 = arith.select %ge3A_212, %broadcast_in_dim3A_215, %broadcast_in_dim3A_216 : vector<16xi1>, vector<16xi32>
      %ge3A_218 = arith.constant 6 : i32
      %ge3A_219 = vector.broadcast %ge3A_218 : i32 to vector<16xi32>
      %ge3A_220 = arith.cmpi sge, %select_n3A_204, %ge3A_219 : vector<16xi32>
      %jit3A_221 = arith.constant 1 : i32
      %jit3A_222 = arith.constant 0 : i32
      %broadcast_in_dim3A_223 = vector.broadcast %jit3A_221 : i32 to vector<16xi32>
      %broadcast_in_dim3A_224 = vector.broadcast %jit3A_222 : i32 to vector<16xi32>
      %select_n3A_225 = arith.select %ge3A_220, %broadcast_in_dim3A_223, %broadcast_in_dim3A_224 : vector<16xi1>, vector<16xi32>
      %add3A_226 = arith.addi %select_n3A_217, %select_n3A_225 : vector<16xi32>
      %mul3A_227 = arith.constant 3 : i32
      %mul3A_228 = vector.broadcast %mul3A_227 : i32 to vector<16xi32>
      %mul3A_229 = arith.muli %mul3A_228, %add3A_226 : vector<16xi32>
      %sub3A_230 = arith.subi %select_n3A_204, %mul3A_229 : vector<16xi32>
      %eq3A = arith.constant 0 : i32
      %eq3A_231 = vector.broadcast %eq3A : i32 to vector<16xi32>
      %eq3A_232 = arith.cmpi eq, %add3A_226, %eq3A_231 : vector<16xi32>
      %eq3A_233 = arith.constant 1 : i32
      %eq3A_234 = vector.broadcast %eq3A_233 : i32 to vector<16xi32>
      %eq3A_235 = arith.cmpi eq, %add3A_226, %eq3A_234 : vector<16xi32>
      %jit3A_236 = arith.constant 32 : i32
      %jit3A_237 = arith.constant 16 : i32
      %broadcast_in_dim3A_238 = vector.broadcast %jit3A_236 : i32 to vector<16xi32>
      %broadcast_in_dim3A_239 = vector.broadcast %jit3A_237 : i32 to vector<16xi32>
      %select_n3A_240 = arith.select %eq3A_235, %broadcast_in_dim3A_238, %broadcast_in_dim3A_239 : vector<16xi1>, vector<16xi32>
      %jit3A_241 = arith.constant 64 : i32
      %broadcast_in_dim3A_242 = vector.broadcast %jit3A_241 : i32 to vector<16xi32>
      %select_n3A_243 = arith.select %eq3A_232, %broadcast_in_dim3A_242, %select_n3A_240 : vector<16xi1>, vector<16xi32>
      %convert_element_type3A_244 = arith.sitofp %select_n3A_243 : vector<16xi32> to vector<16xf32>
      %mul3A_245 = arith.mulf %add3A_35, %convert_element_type3A_244 : vector<16xf32>
      %mul3A_246 = arith.mulf %add3A_39, %convert_element_type3A_244 : vector<16xf32>
      %convert_element_type3A_247 = arith.fptosi %mul3A_245 : vector<16xf32> to vector<16xi32>
      %convert_element_type3A_248 = arith.fptosi %mul3A_246 : vector<16xf32> to vector<16xi32>
      %convert_element_type3A_249 = arith.sitofp %convert_element_type3A_247 : vector<16xi32> to vector<16xf32>
      %sub3A_250 = arith.subf %mul3A_245, %convert_element_type3A_249 : vector<16xf32>
      %add3A_251 = arith.constant 9.99999993E-9 : f32
      %add3A_252 = vector.broadcast %add3A_251 : f32 to vector<16xf32>
      %add3A_253 = arith.addf %sub3A_250, %add3A_252 : vector<16xf32>
      %convert_element_type3A_254 = arith.sitofp %convert_element_type3A_248 : vector<16xi32> to vector<16xf32>
      %sub3A_255 = arith.subf %mul3A_246, %convert_element_type3A_254 : vector<16xf32>
      %add3A_256 = arith.constant 9.99999993E-9 : f32
      %add3A_257 = vector.broadcast %add3A_256 : f32 to vector<16xf32>
      %add3A_258 = arith.addf %sub3A_255, %add3A_257 : vector<16xf32>
      %ge3A_259 = arith.constant 0.000000e+00 : f32
      %ge3A_260 = vector.broadcast %ge3A_259 : f32 to vector<16xf32>
      %ge3A_261 = arith.cmpf oge, %add3A_35, %ge3A_260 : vector<16xf32>
      %ge3A_262 = arith.constant 0.000000e+00 : f32
      %ge3A_263 = vector.broadcast %ge3A_262 : f32 to vector<16xf32>
      %ge3A_264 = arith.cmpf oge, %add3A_39, %ge3A_263 : vector<16xf32>
      %and3A = arith.andi %ge3A_261, %ge3A_264 : vector<16xi1>
      %lt3A_265 = arith.cmpi slt, %convert_element_type3A_248, %select_n3A_243 : vector<16xi32>
      %and3A_266 = arith.andi %and3A, %lt3A_265 : vector<16xi1>
      %lt3A_267 = arith.cmpi slt, %convert_element_type3A_247, %select_n3A_243 : vector<16xi32>
      %and3A_268 = arith.andi %and3A_266, %lt3A_267 : vector<16xi1>
      %lt3A_269 = arith.constant 20 : i32
      %lt3A_270 = vector.broadcast %lt3A_269 : i32 to vector<16xi32>
      %lt3A_271 = arith.cmpi slt, %add3A_20, %lt3A_270 : vector<16xi32>
      %and3A_272 = arith.andi %and3A_268, %lt3A_271 : vector<16xi1>
      %eq3A_273 = arith.constant 0 : i32
      %eq3A_274 = vector.broadcast %eq3A_273 : i32 to vector<16xi32>
      %eq3A_275 = arith.cmpi eq, %add3A_226, %eq3A_274 : vector<16xi32>
      %eq3A_276 = arith.constant 1 : i32
      %eq3A_277 = vector.broadcast %eq3A_276 : i32 to vector<16xi32>
      %eq3A_278 = arith.cmpi eq, %add3A_226, %eq3A_277 : vector<16xi32>
      %jit3A_279 = arith.constant 12288 : i32
      %jit3A_280 = arith.constant 15360 : i32
      %broadcast_in_dim3A_281 = vector.broadcast %jit3A_279 : i32 to vector<16xi32>
      %broadcast_in_dim3A_282 = vector.broadcast %jit3A_280 : i32 to vector<16xi32>
      %select_n3A_283 = arith.select %eq3A_278, %broadcast_in_dim3A_281, %broadcast_in_dim3A_282 : vector<16xi1>, vector<16xi32>
      %jit3A_284 = arith.constant 0 : i32
      %broadcast_in_dim3A_285 = vector.broadcast %jit3A_284 : i32 to vector<16xi32>
      %select_n3A_286 = arith.select %eq3A_275, %broadcast_in_dim3A_285, %select_n3A_283 : vector<16xi1>, vector<16xi32>
      %mul3A_287 = arith.muli %convert_element_type3A_248, %select_n3A_243 : vector<16xi32>
      %add3A_288 = arith.addi %mul3A_287, %convert_element_type3A_247 : vector<16xi32>
      %mul3A_289 = arith.constant 3 : i32
      %mul3A_290 = vector.broadcast %mul3A_289 : i32 to vector<16xi32>
      %mul3A_291 = arith.muli %add3A_288, %mul3A_290 : vector<16xi32>
      %add3A_292 = arith.addi %select_n3A_286, %mul3A_291 : vector<16xi32>
      %add3A_293 = arith.addi %add3A_292, %sub3A_230 : vector<16xi32>
      %jit3A_294 = arith.constant 0 : i32
      %jit3A_295 = arith.constant 16127 : i32
      %max3A = vector.broadcast %jit3A_294 : i32 to vector<16xi32>
      %max3A_296 = arith.maxsi %max3A, %add3A_293 : vector<16xi32>
      %min3A = vector.broadcast %jit3A_295 : i32 to vector<16xi32>
      %min3A_297 = arith.minsi %min3A, %max3A_296 : vector<16xi32>
      %sub3A_298 = arith.constant -1 : i32
      %sub3A_299 = vector.broadcast %sub3A_298 : i32 to vector<16xi32>
      %sub3A_300 = arith.subi %sub3A_299, %add3A_20 : vector<16xi32>
      %select_n3A_301 = arith.select %and3A_272, %min3A_297, %sub3A_300 : vector<16xi1>, vector<16xi32>
      %mul3A_302 = vector.broadcast %add3A : i32 to vector<16xi32>
      %mul3A_303 = arith.muli %mul3A_302, %select_n3A_243 : vector<16xi32>
      %add3A_304 = arith.addi %mul3A_303, %convert_element_type3A_248 : vector<16xi32>
      %mul3A_305 = arith.muli %add3A_304, %select_n3A_243 : vector<16xi32>
      %add3A_306 = arith.addi %mul3A_305, %convert_element_type3A_247 : vector<16xi32>
      %mul3A_307 = arith.constant 3 : i32
      %mul3A_308 = vector.broadcast %mul3A_307 : i32 to vector<16xi32>
      %mul3A_309 = arith.muli %add3A_306, %mul3A_308 : vector<16xi32>
      %add3A_310 = arith.addi %mul3A_309, %sub3A_230 : vector<16xi32>
      %swap3A_311 = arith.constant 0 : index
      %swap3A_312 = tpu.vector_load %arg19[%swap3A_311] {strides = array<i32>} : memref<64xi32, #tpu.memory_space<vmem>>, vector<16xi32>,
      %swap3A_313 = vector.shape_cast %swap3A_312 : vector<16xi32> to vector<16xi32>
      %swap3A_314 = vector.shape_cast %select_n3A_301 : vector<16xi32> to vector<16xi32>
      tpu.vector_store %arg19[%swap3A_311], %swap3A_314 {strides = array<i32>} : memref<64xi32, #tpu.memory_space<vmem>>, vector<16xi32>,
      %div3A = arith.divf %get3A_28, %select_n3A_207 : vector<16xf32>
      %div3A_315 = arith.divf %get3A_31, %select_n3A_210 : vector<16xf32>
      %add3A_316 = arith.constant 16 : i32
      %add3A_317 = vector.broadcast %add3A_316 : i32 to vector<16xi32>
      %add3A_318 = arith.addi %iota3A, %add3A_317 : vector<16xi32>
      %get3A_319 = arith.constant 16 : index
      %get3A_320 = tpu.vector_load %arg15[%get3A_319] {strides = array<i32>} : memref<32xf32, #tpu.memory_space<vmem>>, vector<16xf32>,
      %get3A_321 = vector.shape_cast %get3A_320 : vector<16xf32> to vector<16xf32>
      %get3A_322 = arith.constant 16 : index
      %get3A_323 = tpu.vector_load %arg16[%get3A_322] {strides = array<i32>} : memref<32xf32, #tpu.memory_space<vmem>>, vector<16xf32>,
      %get3A_324 = vector.shape_cast %get3A_323 : vector<16xf32> to vector<16xf32>
      %get3A_325 = arith.constant 16 : index
      %get3A_326 = tpu.vector_load %arg17[%get3A_325] {strides = array<i32>} : memref<32xf32, #tpu.memory_space<vmem>>, vector<16xf32>,
      %get3A_327 = vector.shape_cast %get3A_326 : vector<16xf32> to vector<16xf32>
      %get3A_328 = arith.constant 16 : index
      %get3A_329 = tpu.vector_load %arg18[%get3A_328] {strides = array<i32>} : memref<32xf32, #tpu.memory_space<vmem>>, vector<16xf32>,
      %get3A_330 = vector.shape_cast %get3A_329 : vector<16xf32> to vector<16xf32>
      %mul3A_331 = arith.constant 5.000000e-01 : f32
      %mul3A_332 = vector.broadcast %mul3A_331 : f32 to vector<16xf32>
      %mul3A_333 = arith.mulf %get3A_327, %mul3A_332 : vector<16xf32>
      %add3A_334 = arith.addf %get3A_321, %mul3A_333 : vector<16xf32>
      %mul3A_335 = arith.constant 5.000000e-01 : f32
      %mul3A_336 = vector.broadcast %mul3A_335 : f32 to vector<16xf32>
      %mul3A_337 = arith.mulf %get3A_330, %mul3A_336 : vector<16xf32>
      %add3A_338 = arith.addf %get3A_324, %mul3A_337 : vector<16xf32>
      %sub3A_339 = arith.constant 2.000000e-02 : f32
      %sub3A_340 = vector.broadcast %sub3A_339 : f32 to vector<16xf32>
      %sub3A_341 = arith.subf %get3A_327, %sub3A_340 : vector<16xf32>
      %abs3A_342 = math.absf %sub3A_341 : vector<16xf32>
      %sub3A_343 = arith.constant 3.000000e-02 : f32
      %sub3A_344 = vector.broadcast %sub3A_343 : f32 to vector<16xf32>
      %sub3A_345 = arith.subf %get3A_330, %sub3A_344 : vector<16xf32>
      %abs3A_346 = math.absf %sub3A_345 : vector<16xf32>
      %add3A_347 = arith.addf %abs3A_342, %abs3A_346 : vector<16xf32>
      %broadcast_in_dim3A_348 = arith.constant 0 : i32
      %broadcast_in_dim3A_349 = vector.broadcast %broadcast_in_dim3A_348 : i32 to vector<16xi32>
      %broadcast_in_dim3A_350 = arith.constant 2.000000e-02 : f32
      %broadcast_in_dim3A_351 = vector.broadcast %broadcast_in_dim3A_350 : f32 to vector<16xf32>
      %broadcast_in_dim3A_352 = arith.constant 3.000000e-02 : f32
      %broadcast_in_dim3A_353 = vector.broadcast %broadcast_in_dim3A_352 : f32 to vector<16xf32>
      %sub3A_354 = arith.constant 4.000000e-02 : f32
      %sub3A_355 = vector.broadcast %sub3A_354 : f32 to vector<16xf32>
      %sub3A_356 = arith.subf %get3A_327, %sub3A_355 : vector<16xf32>
      %abs3A_357 = math.absf %sub3A_356 : vector<16xf32>
      %sub3A_358 = arith.constant 7.000000e-02 : f32
      %sub3A_359 = vector.broadcast %sub3A_358 : f32 to vector<16xf32>
      %sub3A_360 = arith.subf %get3A_330, %sub3A_359 : vector<16xf32>
      %abs3A_361 = math.absf %sub3A_360 : vector<16xf32>
      %add3A_362 = arith.addf %abs3A_357, %abs3A_361 : vector<16xf32>
      %lt3A_363 = arith.cmpf olt, %add3A_362, %add3A_347 : vector<16xf32>
      %select_n3A_364 = arith.select %lt3A_363, %add3A_362, %add3A_347 : vector<16xi1>, vector<16xf32>
      %jit3A_365 = arith.constant 1 : i32
      %broadcast_in_dim3A_366 = vector.broadcast %jit3A_365 : i32 to vector<16xi32>
      %select_n3A_367 = arith.select %lt3A_363, %broadcast_in_dim3A_366, %broadcast_in_dim3A_349 : vector<16xi1>, vector<16xi32>
      %jit3A_368 = arith.constant 4.000000e-02 : f32
      %broadcast_in_dim3A_369 = vector.broadcast %jit3A_368 : f32 to vector<16xf32>
      %select_n3A_370 = arith.select %lt3A_363, %broadcast_in_dim3A_369, %broadcast_in_dim3A_351 : vector<16xi1>, vector<16xf32>
      %jit3A_371 = arith.constant 7.000000e-02 : f32
      %broadcast_in_dim3A_372 = vector.broadcast %jit3A_371 : f32 to vector<16xf32>
      %select_n3A_373 = arith.select %lt3A_363, %broadcast_in_dim3A_372, %broadcast_in_dim3A_353 : vector<16xi1>, vector<16xf32>
      %sub3A_374 = arith.constant 8.000000e-02 : f32
      %sub3A_375 = vector.broadcast %sub3A_374 : f32 to vector<16xf32>
      %sub3A_376 = arith.subf %get3A_327, %sub3A_375 : vector<16xf32>
      %abs3A_377 = math.absf %sub3A_376 : vector<16xf32>
      %sub3A_378 = arith.constant 6.000000e-02 : f32
      %sub3A_379 = vector.broadcast %sub3A_378 : f32 to vector<16xf32>
      %sub3A_380 = arith.subf %get3A_330, %sub3A_379 : vector<16xf32>
      %abs3A_381 = math.absf %sub3A_380 : vector<16xf32>
      %add3A_382 = arith.addf %abs3A_377, %abs3A_381 : vector<16xf32>
      %lt3A_383 = arith.cmpf olt, %add3A_382, %select_n3A_364 : vector<16xf32>
      %select_n3A_384 = arith.select %lt3A_383, %add3A_382, %select_n3A_364 : vector<16xi1>, vector<16xf32>
      %jit3A_385 = arith.constant 2 : i32
      %broadcast_in_dim3A_386 = vector.broadcast %jit3A_385 : i32 to vector<16xi32>
      %select_n3A_387 = arith.select %lt3A_383, %broadcast_in_dim3A_386, %select_n3A_367 : vector<16xi1>, vector<16xi32>
      %jit3A_388 = arith.constant 8.000000e-02 : f32
      %broadcast_in_dim3A_389 = vector.broadcast %jit3A_388 : f32 to vector<16xf32>
      %select_n3A_390 = arith.select %lt3A_383, %broadcast_in_dim3A_389, %select_n3A_370 : vector<16xi1>, vector<16xf32>
      %jit3A_391 = arith.constant 6.000000e-02 : f32
      %broadcast_in_dim3A_392 = vector.broadcast %jit3A_391 : f32 to vector<16xf32>
      %select_n3A_393 = arith.select %lt3A_383, %broadcast_in_dim3A_392, %select_n3A_373 : vector<16xi1>, vector<16xf32>
      %sub3A_394 = arith.constant 7.000000e-02 : f32
      %sub3A_395 = vector.broadcast %sub3A_394 : f32 to vector<16xf32>
      %sub3A_396 = arith.subf %get3A_327, %sub3A_395 : vector<16xf32>
      %abs3A_397 = math.absf %sub3A_396 : vector<16xf32>
      %sub3A_398 = arith.constant 1.500000e-01 : f32
      %sub3A_399 = vector.broadcast %sub3A_398 : f32 to vector<16xf32>
      %sub3A_400 = arith.subf %get3A_330, %sub3A_399 : vector<16xf32>
      %abs3A_401 = math.absf %sub3A_400 : vector<16xf32>
      %add3A_402 = arith.addf %abs3A_397, %abs3A_401 : vector<16xf32>
      %lt3A_403 = arith.cmpf olt, %add3A_402, %select_n3A_384 : vector<16xf32>
      %select_n3A_404 = arith.select %lt3A_403, %add3A_402, %select_n3A_384 : vector<16xi1>, vector<16xf32>
      %jit3A_405 = arith.constant 3 : i32
      %broadcast_in_dim3A_406 = vector.broadcast %jit3A_405 : i32 to vector<16xi32>
      %select_n3A_407 = arith.select %lt3A_403, %broadcast_in_dim3A_406, %select_n3A_387 : vector<16xi1>, vector<16xi32>
      %jit3A_408 = arith.constant 7.000000e-02 : f32
      %broadcast_in_dim3A_409 = vector.broadcast %jit3A_408 : f32 to vector<16xf32>
      %select_n3A_410 = arith.select %lt3A_403, %broadcast_in_dim3A_409, %select_n3A_390 : vector<16xi1>, vector<16xf32>
      %jit3A_411 = arith.constant 1.500000e-01 : f32
      %broadcast_in_dim3A_412 = vector.broadcast %jit3A_411 : f32 to vector<16xf32>
      %select_n3A_413 = arith.select %lt3A_403, %broadcast_in_dim3A_412, %select_n3A_393 : vector<16xi1>, vector<16xf32>
      %sub3A_414 = arith.constant 1.500000e-01 : f32
      %sub3A_415 = vector.broadcast %sub3A_414 : f32 to vector<16xf32>
      %sub3A_416 = arith.subf %get3A_327, %sub3A_415 : vector<16xf32>
      %abs3A_417 = math.absf %sub3A_416 : vector<16xf32>
      %sub3A_418 = arith.constant 1.100000e-01 : f32
      %sub3A_419 = vector.broadcast %sub3A_418 : f32 to vector<16xf32>
      %sub3A_420 = arith.subf %get3A_330, %sub3A_419 : vector<16xf32>
      %abs3A_421 = math.absf %sub3A_420 : vector<16xf32>
      %add3A_422 = arith.addf %abs3A_417, %abs3A_421 : vector<16xf32>
      %lt3A_423 = arith.cmpf olt, %add3A_422, %select_n3A_404 : vector<16xf32>
      %select_n3A_424 = arith.select %lt3A_423, %add3A_422, %select_n3A_404 : vector<16xi1>, vector<16xf32>
      %jit3A_425 = arith.constant 4 : i32
      %broadcast_in_dim3A_426 = vector.broadcast %jit3A_425 : i32 to vector<16xi32>
      %select_n3A_427 = arith.select %lt3A_423, %broadcast_in_dim3A_426, %select_n3A_407 : vector<16xi1>, vector<16xi32>
      %jit3A_428 = arith.constant 1.500000e-01 : f32
      %broadcast_in_dim3A_429 = vector.broadcast %jit3A_428 : f32 to vector<16xf32>
      %select_n3A_430 = arith.select %lt3A_423, %broadcast_in_dim3A_429, %select_n3A_410 : vector<16xi1>, vector<16xf32>
      %jit3A_431 = arith.constant 1.100000e-01 : f32
      %broadcast_in_dim3A_432 = vector.broadcast %jit3A_431 : f32 to vector<16xf32>
      %select_n3A_433 = arith.select %lt3A_423, %broadcast_in_dim3A_432, %select_n3A_413 : vector<16xi1>, vector<16xf32>
      %sub3A_434 = arith.constant 1.400000e-01 : f32
      %sub3A_435 = vector.broadcast %sub3A_434 : f32 to vector<16xf32>
      %sub3A_436 = arith.subf %get3A_327, %sub3A_435 : vector<16xf32>
      %abs3A_437 = math.absf %sub3A_436 : vector<16xf32>
      %sub3A_438 = arith.constant 2.900000e-01 : f32
      %sub3A_439 = vector.broadcast %sub3A_438 : f32 to vector<16xf32>
      %sub3A_440 = arith.subf %get3A_330, %sub3A_439 : vector<16xf32>
      %abs3A_441 = math.absf %sub3A_440 : vector<16xf32>
      %add3A_442 = arith.addf %abs3A_437, %abs3A_441 : vector<16xf32>
      %lt3A_443 = arith.cmpf olt, %add3A_442, %select_n3A_424 : vector<16xf32>
      %select_n3A_444 = arith.select %lt3A_443, %add3A_442, %select_n3A_424 : vector<16xi1>, vector<16xf32>
      %jit3A_445 = arith.constant 5 : i32
      %broadcast_in_dim3A_446 = vector.broadcast %jit3A_445 : i32 to vector<16xi32>
      %select_n3A_447 = arith.select %lt3A_443, %broadcast_in_dim3A_446, %select_n3A_427 : vector<16xi1>, vector<16xi32>
      %jit3A_448 = arith.constant 1.400000e-01 : f32
      %broadcast_in_dim3A_449 = vector.broadcast %jit3A_448 : f32 to vector<16xf32>
      %select_n3A_450 = arith.select %lt3A_443, %broadcast_in_dim3A_449, %select_n3A_430 : vector<16xi1>, vector<16xf32>
      %jit3A_451 = arith.constant 2.900000e-01 : f32
      %broadcast_in_dim3A_452 = vector.broadcast %jit3A_451 : f32 to vector<16xf32>
      %select_n3A_453 = arith.select %lt3A_443, %broadcast_in_dim3A_452, %select_n3A_433 : vector<16xi1>, vector<16xf32>
      %sub3A_454 = arith.constant 2.800000e-01 : f32
      %sub3A_455 = vector.broadcast %sub3A_454 : f32 to vector<16xf32>
      %sub3A_456 = arith.subf %get3A_327, %sub3A_455 : vector<16xf32>
      %abs3A_457 = math.absf %sub3A_456 : vector<16xf32>
      %sub3A_458 = arith.constant 2.200000e-01 : f32
      %sub3A_459 = vector.broadcast %sub3A_458 : f32 to vector<16xf32>
      %sub3A_460 = arith.subf %get3A_330, %sub3A_459 : vector<16xf32>
      %abs3A_461 = math.absf %sub3A_460 : vector<16xf32>
      %add3A_462 = arith.addf %abs3A_457, %abs3A_461 : vector<16xf32>
      %lt3A_463 = arith.cmpf olt, %add3A_462, %select_n3A_444 : vector<16xf32>
      %select_n3A_464 = arith.select %lt3A_463, %add3A_462, %select_n3A_444 : vector<16xi1>, vector<16xf32>
      %jit3A_465 = arith.constant 6 : i32
      %broadcast_in_dim3A_466 = vector.broadcast %jit3A_465 : i32 to vector<16xi32>
      %select_n3A_467 = arith.select %lt3A_463, %broadcast_in_dim3A_466, %select_n3A_447 : vector<16xi1>, vector<16xi32>
      %jit3A_468 = arith.constant 2.800000e-01 : f32
      %broadcast_in_dim3A_469 = vector.broadcast %jit3A_468 : f32 to vector<16xf32>
      %select_n3A_470 = arith.select %lt3A_463, %broadcast_in_dim3A_469, %select_n3A_450 : vector<16xi1>, vector<16xf32>
      %jit3A_471 = arith.constant 2.200000e-01 : f32
      %broadcast_in_dim3A_472 = vector.broadcast %jit3A_471 : f32 to vector<16xf32>
      %select_n3A_473 = arith.select %lt3A_463, %broadcast_in_dim3A_472, %select_n3A_453 : vector<16xi1>, vector<16xf32>
      %sub3A_474 = arith.constant 3.800000e-01 : f32
      %sub3A_475 = vector.broadcast %sub3A_474 : f32 to vector<16xf32>
      %sub3A_476 = arith.subf %get3A_327, %sub3A_475 : vector<16xf32>
      %abs3A_477 = math.absf %sub3A_476 : vector<16xf32>
      %sub3A_478 = arith.constant 4.800000e-01 : f32
      %sub3A_479 = vector.broadcast %sub3A_478 : f32 to vector<16xf32>
      %sub3A_480 = arith.subf %get3A_330, %sub3A_479 : vector<16xf32>
      %abs3A_481 = math.absf %sub3A_480 : vector<16xf32>
      %add3A_482 = arith.addf %abs3A_477, %abs3A_481 : vector<16xf32>
      %lt3A_483 = arith.cmpf olt, %add3A_482, %select_n3A_464 : vector<16xf32>
      %select_n3A_484 = arith.select %lt3A_483, %add3A_482, %select_n3A_464 : vector<16xi1>, vector<16xf32>
      %jit3A_485 = arith.constant 7 : i32
      %broadcast_in_dim3A_486 = vector.broadcast %jit3A_485 : i32 to vector<16xi32>
      %select_n3A_487 = arith.select %lt3A_483, %broadcast_in_dim3A_486, %select_n3A_467 : vector<16xi1>, vector<16xi32>
      %jit3A_488 = arith.constant 3.800000e-01 : f32
      %broadcast_in_dim3A_489 = vector.broadcast %jit3A_488 : f32 to vector<16xf32>
      %select_n3A_490 = arith.select %lt3A_483, %broadcast_in_dim3A_489, %select_n3A_470 : vector<16xi1>, vector<16xf32>
      %jit3A_491 = arith.constant 4.800000e-01 : f32
      %broadcast_in_dim3A_492 = vector.broadcast %jit3A_491 : f32 to vector<16xf32>
      %select_n3A_493 = arith.select %lt3A_483, %broadcast_in_dim3A_492, %select_n3A_473 : vector<16xi1>, vector<16xf32>
      %sub3A_494 = arith.constant 0.899999976 : f32
      %sub3A_495 = vector.broadcast %sub3A_494 : f32 to vector<16xf32>
      %sub3A_496 = arith.subf %get3A_327, %sub3A_495 : vector<16xf32>
      %abs3A_497 = math.absf %sub3A_496 : vector<16xf32>
      %sub3A_498 = arith.constant 7.800000e-01 : f32
      %sub3A_499 = vector.broadcast %sub3A_498 : f32 to vector<16xf32>
      %sub3A_500 = arith.subf %get3A_330, %sub3A_499 : vector<16xf32>
      %abs3A_501 = math.absf %sub3A_500 : vector<16xf32>
      %add3A_502 = arith.addf %abs3A_497, %abs3A_501 : vector<16xf32>
      %lt3A_503 = arith.cmpf olt, %add3A_502, %select_n3A_484 : vector<16xf32>
      %select_n3A_504 = arith.select %lt3A_503, %add3A_502, %select_n3A_484 : vector<16xi1>, vector<16xf32>
      %jit3A_505 = arith.constant 8 : i32
      %broadcast_in_dim3A_506 = vector.broadcast %jit3A_505 : i32 to vector<16xi32>
      %select_n3A_507 = arith.select %lt3A_503, %broadcast_in_dim3A_506, %select_n3A_487 : vector<16xi1>, vector<16xi32>
      %jit3A_508 = arith.constant 0.899999976 : f32
      %broadcast_in_dim3A_509 = vector.broadcast %jit3A_508 : f32 to vector<16xf32>
      %select_n3A_510 = arith.select %lt3A_503, %broadcast_in_dim3A_509, %select_n3A_490 : vector<16xi1>, vector<16xf32>
      %jit3A_511 = arith.constant 7.800000e-01 : f32
      %broadcast_in_dim3A_512 = vector.broadcast %jit3A_511 : f32 to vector<16xf32>
      %select_n3A_513 = arith.select %lt3A_503, %broadcast_in_dim3A_512, %select_n3A_493 : vector<16xi1>, vector<16xf32>
      %ge3A_514 = arith.constant 3 : i32
      %ge3A_515 = vector.broadcast %ge3A_514 : i32 to vector<16xi32>
      %ge3A_516 = arith.cmpi sge, %select_n3A_507, %ge3A_515 : vector<16xi32>
      %jit3A_517 = arith.constant 1 : i32
      %jit3A_518 = arith.constant 0 : i32
      %broadcast_in_dim3A_519 = vector.broadcast %jit3A_517 : i32 to vector<16xi32>
      %broadcast_in_dim3A_520 = vector.broadcast %jit3A_518 : i32 to vector<16xi32>
      %select_n3A_521 = arith.select %ge3A_516, %broadcast_in_dim3A_519, %broadcast_in_dim3A_520 : vector<16xi1>, vector<16xi32>
      %ge3A_522 = arith.constant 6 : i32
      %ge3A_523 = vector.broadcast %ge3A_522 : i32 to vector<16xi32>
      %ge3A_524 = arith.cmpi sge, %select_n3A_507, %ge3A_523 : vector<16xi32>
      %jit3A_525 = arith.constant 1 : i32
      %jit3A_526 = arith.constant 0 : i32
      %broadcast_in_dim3A_527 = vector.broadcast %jit3A_525 : i32 to vector<16xi32>
      %broadcast_in_dim3A_528 = vector.broadcast %jit3A_526 : i32 to vector<16xi32>
      %select_n3A_529 = arith.select %ge3A_524, %broadcast_in_dim3A_527, %broadcast_in_dim3A_528 : vector<16xi1>, vector<16xi32>
      %add3A_530 = arith.addi %select_n3A_521, %select_n3A_529 : vector<16xi32>
      %mul3A_531 = arith.constant 3 : i32
      %mul3A_532 = vector.broadcast %mul3A_531 : i32 to vector<16xi32>
      %mul3A_533 = arith.muli %mul3A_532, %add3A_530 : vector<16xi32>
      %sub3A_534 = arith.subi %select_n3A_507, %mul3A_533 : vector<16xi32>
      %eq3A_535 = arith.constant 0 : i32
      %eq3A_536 = vector.broadcast %eq3A_535 : i32 to vector<16xi32>
      %eq3A_537 = arith.cmpi eq, %add3A_530, %eq3A_536 : vector<16xi32>
      %eq3A_538 = arith.constant 1 : i32
      %eq3A_539 = vector.broadcast %eq3A_538 : i32 to vector<16xi32>
      %eq3A_540 = arith.cmpi eq, %add3A_530, %eq3A_539 : vector<16xi32>
      %jit3A_541 = arith.constant 32 : i32
      %jit3A_542 = arith.constant 16 : i32
      %broadcast_in_dim3A_543 = vector.broadcast %jit3A_541 : i32 to vector<16xi32>
      %broadcast_in_dim3A_544 = vector.broadcast %jit3A_542 : i32 to vector<16xi32>
      %select_n3A_545 = arith.select %eq3A_540, %broadcast_in_dim3A_543, %broadcast_in_dim3A_544 : vector<16xi1>, vector<16xi32>
      %jit3A_546 = arith.constant 64 : i32
      %broadcast_in_dim3A_547 = vector.broadcast %jit3A_546 : i32 to vector<16xi32>
      %select_n3A_548 = arith.select %eq3A_537, %broadcast_in_dim3A_547, %select_n3A_545 : vector<16xi1>, vector<16xi32>
      %convert_element_type3A_549 = arith.sitofp %select_n3A_548 : vector<16xi32> to vector<16xf32>
      %mul3A_550 = arith.mulf %add3A_334, %convert_element_type3A_549 : vector<16xf32>
      %mul3A_551 = arith.mulf %add3A_338, %convert_element_type3A_549 : vector<16xf32>
      %convert_element_type3A_552 = arith.fptosi %mul3A_550 : vector<16xf32> to vector<16xi32>
      %convert_element_type3A_553 = arith.fptosi %mul3A_551 : vector<16xf32> to vector<16xi32>
      %convert_element_type3A_554 = arith.sitofp %convert_element_type3A_552 : vector<16xi32> to vector<16xf32>
      %sub3A_555 = arith.subf %mul3A_550, %convert_element_type3A_554 : vector<16xf32>
      %add3A_556 = arith.constant 9.99999993E-9 : f32
      %add3A_557 = vector.broadcast %add3A_556 : f32 to vector<16xf32>
      %add3A_558 = arith.addf %sub3A_555, %add3A_557 : vector<16xf32>
      %convert_element_type3A_559 = arith.sitofp %convert_element_type3A_553 : vector<16xi32> to vector<16xf32>
      %sub3A_560 = arith.subf %mul3A_551, %convert_element_type3A_559 : vector<16xf32>
      %add3A_561 = arith.constant 9.99999993E-9 : f32
      %add3A_562 = vector.broadcast %add3A_561 : f32 to vector<16xf32>
      %add3A_563 = arith.addf %sub3A_560, %add3A_562 : vector<16xf32>
      %ge3A_564 = arith.constant 0.000000e+00 : f32
      %ge3A_565 = vector.broadcast %ge3A_564 : f32 to vector<16xf32>
      %ge3A_566 = arith.cmpf oge, %add3A_334, %ge3A_565 : vector<16xf32>
      %ge3A_567 = arith.constant 0.000000e+00 : f32
      %ge3A_568 = vector.broadcast %ge3A_567 : f32 to vector<16xf32>
      %ge3A_569 = arith.cmpf oge, %add3A_338, %ge3A_568 : vector<16xf32>
      %and3A_570 = arith.andi %ge3A_566, %ge3A_569 : vector<16xi1>
      %lt3A_571 = arith.cmpi slt, %convert_element_type3A_553, %select_n3A_548 : vector<16xi32>
      %and3A_572 = arith.andi %and3A_570, %lt3A_571 : vector<16xi1>
      %lt3A_573 = arith.cmpi slt, %convert_element_type3A_552, %select_n3A_548 : vector<16xi32>
      %and3A_574 = arith.andi %and3A_572, %lt3A_573 : vector<16xi1>
      %lt3A_575 = arith.constant 20 : i32
      %lt3A_576 = vector.broadcast %lt3A_575 : i32 to vector<16xi32>
      %lt3A_577 = arith.cmpi slt, %add3A_318, %lt3A_576 : vector<16xi32>
      %and3A_578 = arith.andi %and3A_574, %lt3A_577 : vector<16xi1>
      %eq3A_579 = arith.constant 0 : i32
      %eq3A_580 = vector.broadcast %eq3A_579 : i32 to vector<16xi32>
      %eq3A_581 = arith.cmpi eq, %add3A_530, %eq3A_580 : vector<16xi32>
      %eq3A_582 = arith.constant 1 : i32
      %eq3A_583 = vector.broadcast %eq3A_582 : i32 to vector<16xi32>
      %eq3A_584 = arith.cmpi eq, %add3A_530, %eq3A_583 : vector<16xi32>
      %jit3A_585 = arith.constant 12288 : i32
      %jit3A_586 = arith.constant 15360 : i32
      %broadcast_in_dim3A_587 = vector.broadcast %jit3A_585 : i32 to vector<16xi32>
      %broadcast_in_dim3A_588 = vector.broadcast %jit3A_586 : i32 to vector<16xi32>
      %select_n3A_589 = arith.select %eq3A_584, %broadcast_in_dim3A_587, %broadcast_in_dim3A_588 : vector<16xi1>, vector<16xi32>
      %jit3A_590 = arith.constant 0 : i32
      %broadcast_in_dim3A_591 = vector.broadcast %jit3A_590 : i32 to vector<16xi32>
      %select_n3A_592 = arith.select %eq3A_581, %broadcast_in_dim3A_591, %select_n3A_589 : vector<16xi1>, vector<16xi32>
      %mul3A_593 = arith.muli %convert_element_type3A_553, %select_n3A_548 : vector<16xi32>
      %add3A_594 = arith.addi %mul3A_593, %convert_element_type3A_552 : vector<16xi32>
      %mul3A_595 = arith.constant 3 : i32
      %mul3A_596 = vector.broadcast %mul3A_595 : i32 to vector<16xi32>
      %mul3A_597 = arith.muli %add3A_594, %mul3A_596 : vector<16xi32>
      %add3A_598 = arith.addi %select_n3A_592, %mul3A_597 : vector<16xi32>
      %add3A_599 = arith.addi %add3A_598, %sub3A_534 : vector<16xi32>
      %jit3A_600 = arith.constant 0 : i32
      %jit3A_601 = arith.constant 16127 : i32
      %max3A_602 = vector.broadcast %jit3A_600 : i32 to vector<16xi32>
      %max3A_603 = arith.maxsi %max3A_602, %add3A_599 : vector<16xi32>
      %min3A_604 = vector.broadcast %jit3A_601 : i32 to vector<16xi32>
      %min3A_605 = arith.minsi %min3A_604, %max3A_603 : vector<16xi32>
      %sub3A_606 = arith.constant -1 : i32
      %sub3A_607 = vector.broadcast %sub3A_606 : i32 to vector<16xi32>
      %sub3A_608 = arith.subi %sub3A_607, %add3A_318 : vector<16xi32>
      %select_n3A_609 = arith.select %and3A_578, %min3A_605, %sub3A_608 : vector<16xi1>, vector<16xi32>
      %mul3A_610 = vector.broadcast %add3A : i32 to vector<16xi32>
      %mul3A_611 = arith.muli %mul3A_610, %select_n3A_548 : vector<16xi32>
      %add3A_612 = arith.addi %mul3A_611, %convert_element_type3A_553 : vector<16xi32>
      %mul3A_613 = arith.muli %add3A_612, %select_n3A_548 : vector<16xi32>
      %add3A_614 = arith.addi %mul3A_613, %convert_element_type3A_552 : vector<16xi32>
      %mul3A_615 = arith.constant 3 : i32
      %mul3A_616 = vector.broadcast %mul3A_615 : i32 to vector<16xi32>
      %mul3A_617 = arith.muli %add3A_614, %mul3A_616 : vector<16xi32>
      %add3A_618 = arith.addi %mul3A_617, %sub3A_534 : vector<16xi32>
      %swap3A_619 = arith.constant 16 : index
      %swap3A_620 = tpu.vector_load %arg19[%swap3A_619] {strides = array<i32>} : memref<64xi32, #tpu.memory_space<vmem>>, vector<16xi32>,
      %swap3A_621 = vector.shape_cast %swap3A_620 : vector<16xi32> to vector<16xi32>
      %swap3A_622 = vector.shape_cast %select_n3A_609 : vector<16xi32> to vector<16xi32>
      tpu.vector_store %arg19[%swap3A_619], %swap3A_622 {strides = array<i32>} : memref<64xi32, #tpu.memory_space<vmem>>, vector<16xi32>,
      %div3A_623 = arith.divf %get3A_327, %select_n3A_510 : vector<16xf32>
      %div3A_624 = arith.divf %get3A_330, %select_n3A_513 : vector<16xf32>
      %broadcast_in_dim3A_625 = arith.constant 0 : i32
      %broadcast_in_dim3A_626 = vector.broadcast %broadcast_in_dim3A_625 : i32 to vector<16xi32>
      %get3A_627 = arith.constant 1 : index
      %get3A_628 = tpu.vector_load %arg19[%get3A_627] {strides = array<i32>} : memref<64xi32, #tpu.memory_space<vmem>>, vector<16xi32>,
      %get3A_629 = vector.shape_cast %get3A_628 : vector<16xi32> to vector<16xi32>
      %sub3A_630 = arith.subi %select_n3A_301, %get3A_629 : vector<16xi32>
      %abs3A_631 = math.absi %sub3A_630 : vector<16xi32>
      %min3A_632 = arith.constant 1 : i32
      %min3A_633 = vector.broadcast %min3A_632 : i32 to vector<16xi32>
      %min3A_634 = arith.minsi %abs3A_631, %min3A_633 : vector<16xi32>
      %sub3A_635 = arith.constant 1 : i32
      %sub3A_636 = vector.broadcast %sub3A_635 : i32 to vector<16xi32>
      %sub3A_637 = arith.subi %sub3A_636, %min3A_634 : vector<16xi32>
      %max3A_638 = arith.maxsi %broadcast_in_dim3A_626, %sub3A_637 : vector<16xi32>
      %get3A_639 = arith.constant 2 : index
      %get3A_640 = tpu.vector_load %arg19[%get3A_639] {strides = array<i32>} : memref<64xi32, #tpu.memory_space<vmem>>, vector<16xi32>,
      %get3A_641 = vector.shape_cast %get3A_640 : vector<16xi32> to vector<16xi32>
      %sub3A_642 = arith.subi %select_n3A_301, %get3A_641 : vector<16xi32>
      %abs3A_643 = math.absi %sub3A_642 : vector<16xi32>
      %min3A_644 = arith.constant 1 : i32
      %min3A_645 = vector.broadcast %min3A_644 : i32 to vector<16xi32>
      %min3A_646 = arith.minsi %abs3A_643, %min3A_645 : vector<16xi32>
      %sub3A_647 = arith.constant 1 : i32
      %sub3A_648 = vector.broadcast %sub3A_647 : i32 to vector<16xi32>
      %sub3A_649 = arith.subi %sub3A_648, %min3A_646 : vector<16xi32>
      %max3A_650 = arith.maxsi %max3A_638, %sub3A_649 : vector<16xi32>
      %get3A_651 = arith.constant 3 : index
      %get3A_652 = tpu.vector_load %arg19[%get3A_651] {strides = array<i32>} : memref<64xi32, #tpu.memory_space<vmem>>, vector<16xi32>,
      %get3A_653 = vector.shape_cast %get3A_652 : vector<16xi32> to vector<16xi32>
      %sub3A_654 = arith.subi %select_n3A_301, %get3A_653 : vector<16xi32>
      %abs3A_655 = math.absi %sub3A_654 : vector<16xi32>
      %min3A_656 = arith.constant 1 : i32
      %min3A_657 = vector.broadcast %min3A_656 : i32 to vector<16xi32>
      %min3A_658 = arith.minsi %abs3A_655, %min3A_657 : vector<16xi32>
      %sub3A_659 = arith.constant 1 : i32
      %sub3A_660 = vector.broadcast %sub3A_659 : i32 to vector<16xi32>
      %sub3A_661 = arith.subi %sub3A_660, %min3A_658 : vector<16xi32>
      %max3A_662 = arith.maxsi %max3A_650, %sub3A_661 : vector<16xi32>
      %get3A_663 = arith.constant 4 : index
      %get3A_664 = tpu.vector_load %arg19[%get3A_663] {strides = array<i32>} : memref<64xi32, #tpu.memory_space<vmem>>, vector<16xi32>,
      %get3A_665 = vector.shape_cast %get3A_664 : vector<16xi32> to vector<16xi32>
      %sub3A_666 = arith.subi %select_n3A_301, %get3A_665 : vector<16xi32>
      %abs3A_667 = math.absi %sub3A_666 : vector<16xi32>
      %min3A_668 = arith.constant 1 : i32
      %min3A_669 = vector.broadcast %min3A_668 : i32 to vector<16xi32>
      %min3A_670 = arith.minsi %abs3A_667, %min3A_669 : vector<16xi32>
      %sub3A_671 = arith.constant 1 : i32
      %sub3A_672 = vector.broadcast %sub3A_671 : i32 to vector<16xi32>
      %sub3A_673 = arith.subi %sub3A_672, %min3A_670 : vector<16xi32>
      %max3A_674 = arith.maxsi %max3A_662, %sub3A_673 : vector<16xi32>
      %get3A_675 = arith.constant 5 : index
      %get3A_676 = tpu.vector_load %arg19[%get3A_675] {strides = array<i32>} : memref<64xi32, #tpu.memory_space<vmem>>, vector<16xi32>,
      %get3A_677 = vector.shape_cast %get3A_676 : vector<16xi32> to vector<16xi32>
      %sub3A_678 = arith.subi %select_n3A_301, %get3A_677 : vector<16xi32>
      %abs3A_679 = math.absi %sub3A_678 : vector<16xi32>
      %min3A_680 = arith.constant 1 : i32
      %min3A_681 = vector.broadcast %min3A_680 : i32 to vector<16xi32>
      %min3A_682 = arith.minsi %abs3A_679, %min3A_681 : vector<16xi32>
      %sub3A_683 = arith.constant 1 : i32
      %sub3A_684 = vector.broadcast %sub3A_683 : i32 to vector<16xi32>
      %sub3A_685 = arith.subi %sub3A_684, %min3A_682 : vector<16xi32>
      %max3A_686 = arith.maxsi %max3A_674, %sub3A_685 : vector<16xi32>
      %get3A_687 = arith.constant 6 : index
      %get3A_688 = tpu.vector_load %arg19[%get3A_687] {strides = array<i32>} : memref<64xi32, #tpu.memory_space<vmem>>, vector<16xi32>,
      %get3A_689 = vector.shape_cast %get3A_688 : vector<16xi32> to vector<16xi32>
      %sub3A_690 = arith.subi %select_n3A_301, %get3A_689 : vector<16xi32>
      %abs3A_691 = math.absi %sub3A_690 : vector<16xi32>
      %min3A_692 = arith.constant 1 : i32
      %min3A_693 = vector.broadcast %min3A_692 : i32 to vector<16xi32>
      %min3A_694 = arith.minsi %abs3A_691, %min3A_693 : vector<16xi32>
      %sub3A_695 = arith.constant 1 : i32
      %sub3A_696 = vector.broadcast %sub3A_695 : i32 to vector<16xi32>
      %sub3A_697 = arith.subi %sub3A_696, %min3A_694 : vector<16xi32>
      %max3A_698 = arith.maxsi %max3A_686, %sub3A_697 : vector<16xi32>
      %get3A_699 = arith.constant 7 : index
      %get3A_700 = tpu.vector_load %arg19[%get3A_699] {strides = array<i32>} : memref<64xi32, #tpu.memory_space<vmem>>, vector<16xi32>,
      %get3A_701 = vector.shape_cast %get3A_700 : vector<16xi32> to vector<16xi32>
      %sub3A_702 = arith.subi %select_n3A_301, %get3A_701 : vector<16xi32>
      %abs3A_703 = math.absi %sub3A_702 : vector<16xi32>
      %min3A_704 = arith.constant 1 : i32
      %min3A_705 = vector.broadcast %min3A_704 : i32 to vector<16xi32>
      %min3A_706 = arith.minsi %abs3A_703, %min3A_705 : vector<16xi32>
      %sub3A_707 = arith.constant 1 : i32
      %sub3A_708 = vector.broadcast %sub3A_707 : i32 to vector<16xi32>
      %sub3A_709 = arith.subi %sub3A_708, %min3A_706 : vector<16xi32>
      %max3A_710 = arith.maxsi %max3A_698, %sub3A_709 : vector<16xi32>
      %get3A_711 = arith.constant 8 : index
      %get3A_712 = tpu.vector_load %arg19[%get3A_711] {strides = array<i32>} : memref<64xi32, #tpu.memory_space<vmem>>, vector<16xi32>,
      %get3A_713 = vector.shape_cast %get3A_712 : vector<16xi32> to vector<16xi32>
      %sub3A_714 = arith.subi %select_n3A_301, %get3A_713 : vector<16xi32>
      %abs3A_715 = math.absi %sub3A_714 : vector<16xi32>
      %min3A_716 = arith.constant 1 : i32
      %min3A_717 = vector.broadcast %min3A_716 : i32 to vector<16xi32>
      %min3A_718 = arith.minsi %abs3A_715, %min3A_717 : vector<16xi32>
      %sub3A_719 = arith.constant 1 : i32
      %sub3A_720 = vector.broadcast %sub3A_719 : i32 to vector<16xi32>
      %sub3A_721 = arith.subi %sub3A_720, %min3A_718 : vector<16xi32>
      %max3A_722 = arith.maxsi %max3A_710, %sub3A_721 : vector<16xi32>
      %get3A_723 = arith.constant 9 : index
      %get3A_724 = tpu.vector_load %arg19[%get3A_723] {strides = array<i32>} : memref<64xi32, #tpu.memory_space<vmem>>, vector<16xi32>,
      %get3A_725 = vector.shape_cast %get3A_724 : vector<16xi32> to vector<16xi32>
      %sub3A_726 = arith.subi %select_n3A_301, %get3A_725 : vector<16xi32>
      %abs3A_727 = math.absi %sub3A_726 : vector<16xi32>
      %min3A_728 = arith.constant 1 : i32
      %min3A_729 = vector.broadcast %min3A_728 : i32 to vector<16xi32>
      %min3A_730 = arith.minsi %abs3A_727, %min3A_729 : vector<16xi32>
      %sub3A_731 = arith.constant 1 : i32
      %sub3A_732 = vector.broadcast %sub3A_731 : i32 to vector<16xi32>
      %sub3A_733 = arith.subi %sub3A_732, %min3A_730 : vector<16xi32>
      %max3A_734 = arith.maxsi %max3A_722, %sub3A_733 : vector<16xi32>
      %get3A_735 = arith.constant 10 : index
      %get3A_736 = tpu.vector_load %arg19[%get3A_735] {strides = array<i32>} : memref<64xi32, #tpu.memory_space<vmem>>, vector<16xi32>,
      %get3A_737 = vector.shape_cast %get3A_736 : vector<16xi32> to vector<16xi32>
      %sub3A_738 = arith.subi %select_n3A_301, %get3A_737 : vector<16xi32>
      %abs3A_739 = math.absi %sub3A_738 : vector<16xi32>
      %min3A_740 = arith.constant 1 : i32
      %min3A_741 = vector.broadcast %min3A_740 : i32 to vector<16xi32>
      %min3A_742 = arith.minsi %abs3A_739, %min3A_741 : vector<16xi32>
      %sub3A_743 = arith.constant 1 : i32
      %sub3A_744 = vector.broadcast %sub3A_743 : i32 to vector<16xi32>
      %sub3A_745 = arith.subi %sub3A_744, %min3A_742 : vector<16xi32>
      %max3A_746 = arith.maxsi %max3A_734, %sub3A_745 : vector<16xi32>
      %get3A_747 = arith.constant 11 : index
      %get3A_748 = tpu.vector_load %arg19[%get3A_747] {strides = array<i32>} : memref<64xi32, #tpu.memory_space<vmem>>, vector<16xi32>,
      %get3A_749 = vector.shape_cast %get3A_748 : vector<16xi32> to vector<16xi32>
      %sub3A_750 = arith.subi %select_n3A_301, %get3A_749 : vector<16xi32>
      %abs3A_751 = math.absi %sub3A_750 : vector<16xi32>
      %min3A_752 = arith.constant 1 : i32
      %min3A_753 = vector.broadcast %min3A_752 : i32 to vector<16xi32>
      %min3A_754 = arith.minsi %abs3A_751, %min3A_753 : vector<16xi32>
      %sub3A_755 = arith.constant 1 : i32
      %sub3A_756 = vector.broadcast %sub3A_755 : i32 to vector<16xi32>
      %sub3A_757 = arith.subi %sub3A_756, %min3A_754 : vector<16xi32>
      %max3A_758 = arith.maxsi %max3A_746, %sub3A_757 : vector<16xi32>
      %get3A_759 = arith.constant 12 : index
      %get3A_760 = tpu.vector_load %arg19[%get3A_759] {strides = array<i32>} : memref<64xi32, #tpu.memory_space<vmem>>, vector<16xi32>,
      %get3A_761 = vector.shape_cast %get3A_760 : vector<16xi32> to vector<16xi32>
      %sub3A_762 = arith.subi %select_n3A_301, %get3A_761 : vector<16xi32>
      %abs3A_763 = math.absi %sub3A_762 : vector<16xi32>
      %min3A_764 = arith.constant 1 : i32
      %min3A_765 = vector.broadcast %min3A_764 : i32 to vector<16xi32>
      %min3A_766 = arith.minsi %abs3A_763, %min3A_765 : vector<16xi32>
      %sub3A_767 = arith.constant 1 : i32
      %sub3A_768 = vector.broadcast %sub3A_767 : i32 to vector<16xi32>
      %sub3A_769 = arith.subi %sub3A_768, %min3A_766 : vector<16xi32>
      %max3A_770 = arith.maxsi %max3A_758, %sub3A_769 : vector<16xi32>
      %get3A_771 = arith.constant 13 : index
      %get3A_772 = tpu.vector_load %arg19[%get3A_771] {strides = array<i32>} : memref<64xi32, #tpu.memory_space<vmem>>, vector<16xi32>,
      %get3A_773 = vector.shape_cast %get3A_772 : vector<16xi32> to vector<16xi32>
      %sub3A_774 = arith.subi %select_n3A_301, %get3A_773 : vector<16xi32>
      %abs3A_775 = math.absi %sub3A_774 : vector<16xi32>
      %min3A_776 = arith.constant 1 : i32
      %min3A_777 = vector.broadcast %min3A_776 : i32 to vector<16xi32>
      %min3A_778 = arith.minsi %abs3A_775, %min3A_777 : vector<16xi32>
      %sub3A_779 = arith.constant 1 : i32
      %sub3A_780 = vector.broadcast %sub3A_779 : i32 to vector<16xi32>
      %sub3A_781 = arith.subi %sub3A_780, %min3A_778 : vector<16xi32>
      %max3A_782 = arith.maxsi %max3A_770, %sub3A_781 : vector<16xi32>
      %get3A_783 = arith.constant 14 : index
      %get3A_784 = tpu.vector_load %arg19[%get3A_783] {strides = array<i32>} : memref<64xi32, #tpu.memory_space<vmem>>, vector<16xi32>,
      %get3A_785 = vector.shape_cast %get3A_784 : vector<16xi32> to vector<16xi32>
      %sub3A_786 = arith.subi %select_n3A_301, %get3A_785 : vector<16xi32>
      %abs3A_787 = math.absi %sub3A_786 : vector<16xi32>
      %min3A_788 = arith.constant 1 : i32
      %min3A_789 = vector.broadcast %min3A_788 : i32 to vector<16xi32>
      %min3A_790 = arith.minsi %abs3A_787, %min3A_789 : vector<16xi32>
      %sub3A_791 = arith.constant 1 : i32
      %sub3A_792 = vector.broadcast %sub3A_791 : i32 to vector<16xi32>
      %sub3A_793 = arith.subi %sub3A_792, %min3A_790 : vector<16xi32>
      %max3A_794 = arith.maxsi %max3A_782, %sub3A_793 : vector<16xi32>
      %get3A_795 = arith.constant 15 : index
      %get3A_796 = tpu.vector_load %arg19[%get3A_795] {strides = array<i32>} : memref<64xi32, #tpu.memory_space<vmem>>, vector<16xi32>,
      %get3A_797 = vector.shape_cast %get3A_796 : vector<16xi32> to vector<16xi32>
      %sub3A_798 = arith.subi %select_n3A_301, %get3A_797 : vector<16xi32>
      %abs3A_799 = math.absi %sub3A_798 : vector<16xi32>
      %min3A_800 = arith.constant 1 : i32
      %min3A_801 = vector.broadcast %min3A_800 : i32 to vector<16xi32>
      %min3A_802 = arith.minsi %abs3A_799, %min3A_801 : vector<16xi32>
      %sub3A_803 = arith.constant 1 : i32
      %sub3A_804 = vector.broadcast %sub3A_803 : i32 to vector<16xi32>
      %sub3A_805 = arith.subi %sub3A_804, %min3A_802 : vector<16xi32>
      %max3A_806 = arith.maxsi %max3A_794, %sub3A_805 : vector<16xi32>
      %get3A_807 = arith.constant 16 : index
      %get3A_808 = tpu.vector_load %arg19[%get3A_807] {strides = array<i32>} : memref<64xi32, #tpu.memory_space<vmem>>, vector<16xi32>,
      %get3A_809 = vector.shape_cast %get3A_808 : vector<16xi32> to vector<16xi32>
      %sub3A_810 = arith.subi %select_n3A_301, %get3A_809 : vector<16xi32>
      %abs3A_811 = math.absi %sub3A_810 : vector<16xi32>
      %min3A_812 = arith.constant 1 : i32
      %min3A_813 = vector.broadcast %min3A_812 : i32 to vector<16xi32>
      %min3A_814 = arith.minsi %abs3A_811, %min3A_813 : vector<16xi32>
      %sub3A_815 = arith.constant 1 : i32
      %sub3A_816 = vector.broadcast %sub3A_815 : i32 to vector<16xi32>
      %sub3A_817 = arith.subi %sub3A_816, %min3A_814 : vector<16xi32>
      %max3A_818 = arith.maxsi %max3A_806, %sub3A_817 : vector<16xi32>
      %get3A_819 = arith.constant 17 : index
      %get3A_820 = tpu.vector_load %arg19[%get3A_819] {strides = array<i32>} : memref<64xi32, #tpu.memory_space<vmem>>, vector<16xi32>,
      %get3A_821 = vector.shape_cast %get3A_820 : vector<16xi32> to vector<16xi32>
      %sub3A_822 = arith.subi %select_n3A_301, %get3A_821 : vector<16xi32>
      %abs3A_823 = math.absi %sub3A_822 : vector<16xi32>
      %min3A_824 = arith.constant 1 : i32
      %min3A_825 = vector.broadcast %min3A_824 : i32 to vector<16xi32>
      %min3A_826 = arith.minsi %abs3A_823, %min3A_825 : vector<16xi32>
      %sub3A_827 = arith.constant 1 : i32
      %sub3A_828 = vector.broadcast %sub3A_827 : i32 to vector<16xi32>
      %sub3A_829 = arith.subi %sub3A_828, %min3A_826 : vector<16xi32>
      %max3A_830 = arith.maxsi %max3A_818, %sub3A_829 : vector<16xi32>
      %get3A_831 = arith.constant 18 : index
      %get3A_832 = tpu.vector_load %arg19[%get3A_831] {strides = array<i32>} : memref<64xi32, #tpu.memory_space<vmem>>, vector<16xi32>,
      %get3A_833 = vector.shape_cast %get3A_832 : vector<16xi32> to vector<16xi32>
      %sub3A_834 = arith.subi %select_n3A_301, %get3A_833 : vector<16xi32>
      %abs3A_835 = math.absi %sub3A_834 : vector<16xi32>
      %min3A_836 = arith.constant 1 : i32
      %min3A_837 = vector.broadcast %min3A_836 : i32 to vector<16xi32>
      %min3A_838 = arith.minsi %abs3A_835, %min3A_837 : vector<16xi32>
      %sub3A_839 = arith.constant 1 : i32
      %sub3A_840 = vector.broadcast %sub3A_839 : i32 to vector<16xi32>
      %sub3A_841 = arith.subi %sub3A_840, %min3A_838 : vector<16xi32>
      %max3A_842 = arith.maxsi %max3A_830, %sub3A_841 : vector<16xi32>
      %get3A_843 = arith.constant 19 : index
      %get3A_844 = tpu.vector_load %arg19[%get3A_843] {strides = array<i32>} : memref<64xi32, #tpu.memory_space<vmem>>, vector<16xi32>,
      %get3A_845 = vector.shape_cast %get3A_844 : vector<16xi32> to vector<16xi32>
      %sub3A_846 = arith.subi %select_n3A_301, %get3A_845 : vector<16xi32>
      %abs3A_847 = math.absi %sub3A_846 : vector<16xi32>
      %min3A_848 = arith.constant 1 : i32
      %min3A_849 = vector.broadcast %min3A_848 : i32 to vector<16xi32>
      %min3A_850 = arith.minsi %abs3A_847, %min3A_849 : vector<16xi32>
      %sub3A_851 = arith.constant 1 : i32
      %sub3A_852 = vector.broadcast %sub3A_851 : i32 to vector<16xi32>
      %sub3A_853 = arith.subi %sub3A_852, %min3A_850 : vector<16xi32>
      %max3A_854 = arith.maxsi %max3A_842, %sub3A_853 : vector<16xi32>
      %swap3A_855 = arith.constant 0 : index
      %swap3A_856 = tpu.vector_load %arg20[%swap3A_855] {strides = array<i32>} : memref<32xi32, #tpu.memory_space<vmem>>, vector<16xi32>,
      %swap3A_857 = vector.shape_cast %swap3A_856 : vector<16xi32> to vector<16xi32>
      %swap3A_858 = vector.shape_cast %max3A_854 : vector<16xi32> to vector<16xi32>
      tpu.vector_store %arg20[%swap3A_855], %swap3A_858 {strides = array<i32>} : memref<32xi32, #tpu.memory_space<vmem>>, vector<16xi32>,
      %broadcast_in_dim3A_859 = arith.constant 0 : i32
      %broadcast_in_dim3A_860 = vector.broadcast %broadcast_in_dim3A_859 : i32 to vector<16xi32>
      %get3A_861 = arith.constant 17 : index
      %get3A_862 = tpu.vector_load %arg19[%get3A_861] {strides = array<i32>} : memref<64xi32, #tpu.memory_space<vmem>>, vector<16xi32>,
      %get3A_863 = vector.shape_cast %get3A_862 : vector<16xi32> to vector<16xi32>
      %sub3A_864 = arith.subi %select_n3A_609, %get3A_863 : vector<16xi32>
      %abs3A_865 = math.absi %sub3A_864 : vector<16xi32>
      %min3A_866 = arith.constant 1 : i32
      %min3A_867 = vector.broadcast %min3A_866 : i32 to vector<16xi32>
      %min3A_868 = arith.minsi %abs3A_865, %min3A_867 : vector<16xi32>
      %sub3A_869 = arith.constant 1 : i32
      %sub3A_870 = vector.broadcast %sub3A_869 : i32 to vector<16xi32>
      %sub3A_871 = arith.subi %sub3A_870, %min3A_868 : vector<16xi32>
      %max3A_872 = arith.maxsi %broadcast_in_dim3A_860, %sub3A_871 : vector<16xi32>
      %get3A_873 = arith.constant 18 : index
      %get3A_874 = tpu.vector_load %arg19[%get3A_873] {strides = array<i32>} : memref<64xi32, #tpu.memory_space<vmem>>, vector<16xi32>,
      %get3A_875 = vector.shape_cast %get3A_874 : vector<16xi32> to vector<16xi32>
      %sub3A_876 = arith.subi %select_n3A_609, %get3A_875 : vector<16xi32>
      %abs3A_877 = math.absi %sub3A_876 : vector<16xi32>
      %min3A_878 = arith.constant 1 : i32
      %min3A_879 = vector.broadcast %min3A_878 : i32 to vector<16xi32>
      %min3A_880 = arith.minsi %abs3A_877, %min3A_879 : vector<16xi32>
      %sub3A_881 = arith.constant 1 : i32
      %sub3A_882 = vector.broadcast %sub3A_881 : i32 to vector<16xi32>
      %sub3A_883 = arith.subi %sub3A_882, %min3A_880 : vector<16xi32>
      %max3A_884 = arith.maxsi %max3A_872, %sub3A_883 : vector<16xi32>
      %get3A_885 = arith.constant 19 : index
      %get3A_886 = tpu.vector_load %arg19[%get3A_885] {strides = array<i32>} : memref<64xi32, #tpu.memory_space<vmem>>, vector<16xi32>,
      %get3A_887 = vector.shape_cast %get3A_886 : vector<16xi32> to vector<16xi32>
      %sub3A_888 = arith.subi %select_n3A_609, %get3A_887 : vector<16xi32>
      %abs3A_889 = math.absi %sub3A_888 : vector<16xi32>
      %min3A_890 = arith.constant 1 : i32
      %min3A_891 = vector.broadcast %min3A_890 : i32 to vector<16xi32>
      %min3A_892 = arith.minsi %abs3A_889, %min3A_891 : vector<16xi32>
      %sub3A_893 = arith.constant 1 : i32
      %sub3A_894 = vector.broadcast %sub3A_893 : i32 to vector<16xi32>
      %sub3A_895 = arith.subi %sub3A_894, %min3A_892 : vector<16xi32>
      %max3A_896 = arith.maxsi %max3A_884, %sub3A_895 : vector<16xi32>
      %get3A_897 = arith.constant 20 : index
      %get3A_898 = tpu.vector_load %arg19[%get3A_897] {strides = array<i32>} : memref<64xi32, #tpu.memory_space<vmem>>, vector<16xi32>,
      %get3A_899 = vector.shape_cast %get3A_898 : vector<16xi32> to vector<16xi32>
      %sub3A_900 = arith.subi %select_n3A_609, %get3A_899 : vector<16xi32>
      %abs3A_901 = math.absi %sub3A_900 : vector<16xi32>
      %min3A_902 = arith.constant 1 : i32
      %min3A_903 = vector.broadcast %min3A_902 : i32 to vector<16xi32>
      %min3A_904 = arith.minsi %abs3A_901, %min3A_903 : vector<16xi32>
      %sub3A_905 = arith.constant 1 : i32
      %sub3A_906 = vector.broadcast %sub3A_905 : i32 to vector<16xi32>
      %sub3A_907 = arith.subi %sub3A_906, %min3A_904 : vector<16xi32>
      %max3A_908 = arith.maxsi %max3A_896, %sub3A_907 : vector<16xi32>
      %get3A_909 = arith.constant 21 : index
      %get3A_910 = tpu.vector_load %arg19[%get3A_909] {strides = array<i32>} : memref<64xi32, #tpu.memory_space<vmem>>, vector<16xi32>,
      %get3A_911 = vector.shape_cast %get3A_910 : vector<16xi32> to vector<16xi32>
      %sub3A_912 = arith.subi %select_n3A_609, %get3A_911 : vector<16xi32>
      %abs3A_913 = math.absi %sub3A_912 : vector<16xi32>
      %min3A_914 = arith.constant 1 : i32
      %min3A_915 = vector.broadcast %min3A_914 : i32 to vector<16xi32>
      %min3A_916 = arith.minsi %abs3A_913, %min3A_915 : vector<16xi32>
      %sub3A_917 = arith.constant 1 : i32
      %sub3A_918 = vector.broadcast %sub3A_917 : i32 to vector<16xi32>
      %sub3A_919 = arith.subi %sub3A_918, %min3A_916 : vector<16xi32>
      %max3A_920 = arith.maxsi %max3A_908, %sub3A_919 : vector<16xi32>
      %get3A_921 = arith.constant 22 : index
      %get3A_922 = tpu.vector_load %arg19[%get3A_921] {strides = array<i32>} : memref<64xi32, #tpu.memory_space<vmem>>, vector<16xi32>,
      %get3A_923 = vector.shape_cast %get3A_922 : vector<16xi32> to vector<16xi32>
      %sub3A_924 = arith.subi %select_n3A_609, %get3A_923 : vector<16xi32>
      %abs3A_925 = math.absi %sub3A_924 : vector<16xi32>
      %min3A_926 = arith.constant 1 : i32
      %min3A_927 = vector.broadcast %min3A_926 : i32 to vector<16xi32>
      %min3A_928 = arith.minsi %abs3A_925, %min3A_927 : vector<16xi32>
      %sub3A_929 = arith.constant 1 : i32
      %sub3A_930 = vector.broadcast %sub3A_929 : i32 to vector<16xi32>
      %sub3A_931 = arith.subi %sub3A_930, %min3A_928 : vector<16xi32>
      %max3A_932 = arith.maxsi %max3A_920, %sub3A_931 : vector<16xi32>
      %get3A_933 = arith.constant 23 : index
      %get3A_934 = tpu.vector_load %arg19[%get3A_933] {strides = array<i32>} : memref<64xi32, #tpu.memory_space<vmem>>, vector<16xi32>,
      %get3A_935 = vector.shape_cast %get3A_934 : vector<16xi32> to vector<16xi32>
      %sub3A_936 = arith.subi %select_n3A_609, %get3A_935 : vector<16xi32>
      %abs3A_937 = math.absi %sub3A_936 : vector<16xi32>
      %min3A_938 = arith.constant 1 : i32
      %min3A_939 = vector.broadcast %min3A_938 : i32 to vector<16xi32>
      %min3A_940 = arith.minsi %abs3A_937, %min3A_939 : vector<16xi32>
      %sub3A_941 = arith.constant 1 : i32
      %sub3A_942 = vector.broadcast %sub3A_941 : i32 to vector<16xi32>
      %sub3A_943 = arith.subi %sub3A_942, %min3A_940 : vector<16xi32>
      %max3A_944 = arith.maxsi %max3A_932, %sub3A_943 : vector<16xi32>
      %get3A_945 = arith.constant 24 : index
      %get3A_946 = tpu.vector_load %arg19[%get3A_945] {strides = array<i32>} : memref<64xi32, #tpu.memory_space<vmem>>, vector<16xi32>,
      %get3A_947 = vector.shape_cast %get3A_946 : vector<16xi32> to vector<16xi32>
      %sub3A_948 = arith.subi %select_n3A_609, %get3A_947 : vector<16xi32>
      %abs3A_949 = math.absi %sub3A_948 : vector<16xi32>
      %min3A_950 = arith.constant 1 : i32
      %min3A_951 = vector.broadcast %min3A_950 : i32 to vector<16xi32>
      %min3A_952 = arith.minsi %abs3A_949, %min3A_951 : vector<16xi32>
      %sub3A_953 = arith.constant 1 : i32
      %sub3A_954 = vector.broadcast %sub3A_953 : i32 to vector<16xi32>
      %sub3A_955 = arith.subi %sub3A_954, %min3A_952 : vector<16xi32>
      %max3A_956 = arith.maxsi %max3A_944, %sub3A_955 : vector<16xi32>
      %get3A_957 = arith.constant 25 : index
      %get3A_958 = tpu.vector_load %arg19[%get3A_957] {strides = array<i32>} : memref<64xi32, #tpu.memory_space<vmem>>, vector<16xi32>,
      %get3A_959 = vector.shape_cast %get3A_958 : vector<16xi32> to vector<16xi32>
      %sub3A_960 = arith.subi %select_n3A_609, %get3A_959 : vector<16xi32>
      %abs3A_961 = math.absi %sub3A_960 : vector<16xi32>
      %min3A_962 = arith.constant 1 : i32
      %min3A_963 = vector.broadcast %min3A_962 : i32 to vector<16xi32>
      %min3A_964 = arith.minsi %abs3A_961, %min3A_963 : vector<16xi32>
      %sub3A_965 = arith.constant 1 : i32
      %sub3A_966 = vector.broadcast %sub3A_965 : i32 to vector<16xi32>
      %sub3A_967 = arith.subi %sub3A_966, %min3A_964 : vector<16xi32>
      %max3A_968 = arith.maxsi %max3A_956, %sub3A_967 : vector<16xi32>
      %get3A_969 = arith.constant 26 : index
      %get3A_970 = tpu.vector_load %arg19[%get3A_969] {strides = array<i32>} : memref<64xi32, #tpu.memory_space<vmem>>, vector<16xi32>,
      %get3A_971 = vector.shape_cast %get3A_970 : vector<16xi32> to vector<16xi32>
      %sub3A_972 = arith.subi %select_n3A_609, %get3A_971 : vector<16xi32>
      %abs3A_973 = math.absi %sub3A_972 : vector<16xi32>
      %min3A_974 = arith.constant 1 : i32
      %min3A_975 = vector.broadcast %min3A_974 : i32 to vector<16xi32>
      %min3A_976 = arith.minsi %abs3A_973, %min3A_975 : vector<16xi32>
      %sub3A_977 = arith.constant 1 : i32
      %sub3A_978 = vector.broadcast %sub3A_977 : i32 to vector<16xi32>
      %sub3A_979 = arith.subi %sub3A_978, %min3A_976 : vector<16xi32>
      %max3A_980 = arith.maxsi %max3A_968, %sub3A_979 : vector<16xi32>
      %get3A_981 = arith.constant 27 : index
      %get3A_982 = tpu.vector_load %arg19[%get3A_981] {strides = array<i32>} : memref<64xi32, #tpu.memory_space<vmem>>, vector<16xi32>,
      %get3A_983 = vector.shape_cast %get3A_982 : vector<16xi32> to vector<16xi32>
      %sub3A_984 = arith.subi %select_n3A_609, %get3A_983 : vector<16xi32>
      %abs3A_985 = math.absi %sub3A_984 : vector<16xi32>
      %min3A_986 = arith.constant 1 : i32
      %min3A_987 = vector.broadcast %min3A_986 : i32 to vector<16xi32>
      %min3A_988 = arith.minsi %abs3A_985, %min3A_987 : vector<16xi32>
      %sub3A_989 = arith.constant 1 : i32
      %sub3A_990 = vector.broadcast %sub3A_989 : i32 to vector<16xi32>
      %sub3A_991 = arith.subi %sub3A_990, %min3A_988 : vector<16xi32>
      %max3A_992 = arith.maxsi %max3A_980, %sub3A_991 : vector<16xi32>
      %get3A_993 = arith.constant 28 : index
      %get3A_994 = tpu.vector_load %arg19[%get3A_993] {strides = array<i32>} : memref<64xi32, #tpu.memory_space<vmem>>, vector<16xi32>,
      %get3A_995 = vector.shape_cast %get3A_994 : vector<16xi32> to vector<16xi32>
      %sub3A_996 = arith.subi %select_n3A_609, %get3A_995 : vector<16xi32>
      %abs3A_997 = math.absi %sub3A_996 : vector<16xi32>
      %min3A_998 = arith.constant 1 : i32
      %min3A_999 = vector.broadcast %min3A_998 : i32 to vector<16xi32>
      %min3A_1000 = arith.minsi %abs3A_997, %min3A_999 : vector<16xi32>
      %sub3A_1001 = arith.constant 1 : i32
      %sub3A_1002 = vector.broadcast %sub3A_1001 : i32 to vector<16xi32>
      %sub3A_1003 = arith.subi %sub3A_1002, %min3A_1000 : vector<16xi32>
      %max3A_1004 = arith.maxsi %max3A_992, %sub3A_1003 : vector<16xi32>
      %get3A_1005 = arith.constant 29 : index
      %get3A_1006 = tpu.vector_load %arg19[%get3A_1005] {strides = array<i32>} : memref<64xi32, #tpu.memory_space<vmem>>, vector<16xi32>,
      %get3A_1007 = vector.shape_cast %get3A_1006 : vector<16xi32> to vector<16xi32>
      %sub3A_1008 = arith.subi %select_n3A_609, %get3A_1007 : vector<16xi32>
      %abs3A_1009 = math.absi %sub3A_1008 : vector<16xi32>
      %min3A_1010 = arith.constant 1 : i32
      %min3A_1011 = vector.broadcast %min3A_1010 : i32 to vector<16xi32>
      %min3A_1012 = arith.minsi %abs3A_1009, %min3A_1011 : vector<16xi32>
      %sub3A_1013 = arith.constant 1 : i32
      %sub3A_1014 = vector.broadcast %sub3A_1013 : i32 to vector<16xi32>
      %sub3A_1015 = arith.subi %sub3A_1014, %min3A_1012 : vector<16xi32>
      %max3A_1016 = arith.maxsi %max3A_1004, %sub3A_1015 : vector<16xi32>
      %get3A_1017 = arith.constant 30 : index
      %get3A_1018 = tpu.vector_load %arg19[%get3A_1017] {strides = array<i32>} : memref<64xi32, #tpu.memory_space<vmem>>, vector<16xi32>,
      %get3A_1019 = vector.shape_cast %get3A_1018 : vector<16xi32> to vector<16xi32>
      %sub3A_1020 = arith.subi %select_n3A_609, %get3A_1019 : vector<16xi32>
      %abs3A_1021 = math.absi %sub3A_1020 : vector<16xi32>
      %min3A_1022 = arith.constant 1 : i32
      %min3A_1023 = vector.broadcast %min3A_1022 : i32 to vector<16xi32>
      %min3A_1024 = arith.minsi %abs3A_1021, %min3A_1023 : vector<16xi32>
      %sub3A_1025 = arith.constant 1 : i32
      %sub3A_1026 = vector.broadcast %sub3A_1025 : i32 to vector<16xi32>
      %sub3A_1027 = arith.subi %sub3A_1026, %min3A_1024 : vector<16xi32>
      %max3A_1028 = arith.maxsi %max3A_1016, %sub3A_1027 : vector<16xi32>
      %get3A_1029 = arith.constant 31 : index
      %get3A_1030 = tpu.vector_load %arg19[%get3A_1029] {strides = array<i32>} : memref<64xi32, #tpu.memory_space<vmem>>, vector<16xi32>,
      %get3A_1031 = vector.shape_cast %get3A_1030 : vector<16xi32> to vector<16xi32>
      %sub3A_1032 = arith.subi %select_n3A_609, %get3A_1031 : vector<16xi32>
      %abs3A_1033 = math.absi %sub3A_1032 : vector<16xi32>
      %min3A_1034 = arith.constant 1 : i32
      %min3A_1035 = vector.broadcast %min3A_1034 : i32 to vector<16xi32>
      %min3A_1036 = arith.minsi %abs3A_1033, %min3A_1035 : vector<16xi32>
      %sub3A_1037 = arith.constant 1 : i32
      %sub3A_1038 = vector.broadcast %sub3A_1037 : i32 to vector<16xi32>
      %sub3A_1039 = arith.subi %sub3A_1038, %min3A_1036 : vector<16xi32>
      %max3A_1040 = arith.maxsi %max3A_1028, %sub3A_1039 : vector<16xi32>
      %get3A_1041 = arith.constant 32 : index
      %get3A_1042 = tpu.vector_load %arg19[%get3A_1041] {strides = array<i32>} : memref<64xi32, #tpu.memory_space<vmem>>, vector<16xi32>,
      %get3A_1043 = vector.shape_cast %get3A_1042 : vector<16xi32> to vector<16xi32>
      %sub3A_1044 = arith.subi %select_n3A_609, %get3A_1043 : vector<16xi32>
      %abs3A_1045 = math.absi %sub3A_1044 : vector<16xi32>
      %min3A_1046 = arith.constant 1 : i32
      %min3A_1047 = vector.broadcast %min3A_1046 : i32 to vector<16xi32>
      %min3A_1048 = arith.minsi %abs3A_1045, %min3A_1047 : vector<16xi32>
      %sub3A_1049 = arith.constant 1 : i32
      %sub3A_1050 = vector.broadcast %sub3A_1049 : i32 to vector<16xi32>
      %sub3A_1051 = arith.subi %sub3A_1050, %min3A_1048 : vector<16xi32>
      %max3A_1052 = arith.maxsi %max3A_1040, %sub3A_1051 : vector<16xi32>
      %get3A_1053 = arith.constant 33 : index
      %get3A_1054 = tpu.vector_load %arg19[%get3A_1053] {strides = array<i32>} : memref<64xi32, #tpu.memory_space<vmem>>, vector<16xi32>,
      %get3A_1055 = vector.shape_cast %get3A_1054 : vector<16xi32> to vector<16xi32>
      %sub3A_1056 = arith.subi %select_n3A_609, %get3A_1055 : vector<16xi32>
      %abs3A_1057 = math.absi %sub3A_1056 : vector<16xi32>
      %min3A_1058 = arith.constant 1 : i32
      %min3A_1059 = vector.broadcast %min3A_1058 : i32 to vector<16xi32>
      %min3A_1060 = arith.minsi %abs3A_1057, %min3A_1059 : vector<16xi32>
      %sub3A_1061 = arith.constant 1 : i32
      %sub3A_1062 = vector.broadcast %sub3A_1061 : i32 to vector<16xi32>
      %sub3A_1063 = arith.subi %sub3A_1062, %min3A_1060 : vector<16xi32>
      %max3A_1064 = arith.maxsi %max3A_1052, %sub3A_1063 : vector<16xi32>
      %get3A_1065 = arith.constant 34 : index
      %get3A_1066 = tpu.vector_load %arg19[%get3A_1065] {strides = array<i32>} : memref<64xi32, #tpu.memory_space<vmem>>, vector<16xi32>,
      %get3A_1067 = vector.shape_cast %get3A_1066 : vector<16xi32> to vector<16xi32>
      %sub3A_1068 = arith.subi %select_n3A_609, %get3A_1067 : vector<16xi32>
      %abs3A_1069 = math.absi %sub3A_1068 : vector<16xi32>
      %min3A_1070 = arith.constant 1 : i32
      %min3A_1071 = vector.broadcast %min3A_1070 : i32 to vector<16xi32>
      %min3A_1072 = arith.minsi %abs3A_1069, %min3A_1071 : vector<16xi32>
      %sub3A_1073 = arith.constant 1 : i32
      %sub3A_1074 = vector.broadcast %sub3A_1073 : i32 to vector<16xi32>
      %sub3A_1075 = arith.subi %sub3A_1074, %min3A_1072 : vector<16xi32>
      %max3A_1076 = arith.maxsi %max3A_1064, %sub3A_1075 : vector<16xi32>
      %get3A_1077 = arith.constant 35 : index
      %get3A_1078 = tpu.vector_load %arg19[%get3A_1077] {strides = array<i32>} : memref<64xi32, #tpu.memory_space<vmem>>, vector<16xi32>,
      %get3A_1079 = vector.shape_cast %get3A_1078 : vector<16xi32> to vector<16xi32>
      %sub3A_1080 = arith.subi %select_n3A_609, %get3A_1079 : vector<16xi32>
      %abs3A_1081 = math.absi %sub3A_1080 : vector<16xi32>
      %min3A_1082 = arith.constant 1 : i32
      %min3A_1083 = vector.broadcast %min3A_1082 : i32 to vector<16xi32>
      %min3A_1084 = arith.minsi %abs3A_1081, %min3A_1083 : vector<16xi32>
      %sub3A_1085 = arith.constant 1 : i32
      %sub3A_1086 = vector.broadcast %sub3A_1085 : i32 to vector<16xi32>
      %sub3A_1087 = arith.subi %sub3A_1086, %min3A_1084 : vector<16xi32>
      %max3A_1088 = arith.maxsi %max3A_1076, %sub3A_1087 : vector<16xi32>
      %swap3A_1089 = arith.constant 16 : index
      %swap3A_1090 = tpu.vector_load %arg20[%swap3A_1089] {strides = array<i32>} : memref<32xi32, #tpu.memory_space<vmem>>, vector<16xi32>,
      %swap3A_1091 = vector.shape_cast %swap3A_1090 : vector<16xi32> to vector<16xi32>
      %swap3A_1092 = vector.shape_cast %max3A_1088 : vector<16xi32> to vector<16xi32>
      tpu.vector_store %arg20[%swap3A_1089], %swap3A_1092 {strides = array<i32>} : memref<32xi32, #tpu.memory_space<vmem>>, vector<16xi32>,
      %get3A_1093 = arith.constant 0 : index
      %get3A_1094 = tpu.vector_load %arg20[%get3A_1093] {strides = array<i32>} : memref<32xi32, #tpu.memory_space<vmem>>, vector<16xi32>,
      %get3A_1095 = vector.shape_cast %get3A_1094 : vector<16xi32> to vector<16xi32>
      %eq3A_1096 = arith.constant 0 : i32
      %eq3A_1097 = vector.broadcast %eq3A_1096 : i32 to vector<16xi32>
      %eq3A_1098 = arith.cmpi eq, %get3A_1095, %eq3A_1097 : vector<16xi32>
      %and3A_1099 = arith.andi %and3A_272, %eq3A_1098 : vector<16xi1>
      %jit3A_1100 = arith.constant 1.000000e+00 : f32
      %jit3A_1101 = arith.constant 0.000000e+00 : f32
      %broadcast_in_dim3A_1102 = vector.broadcast %jit3A_1100 : f32 to vector<16xf32>
      %broadcast_in_dim3A_1103 = vector.broadcast %jit3A_1101 : f32 to vector<16xf32>
      %select_n3A_1104 = arith.select %and3A_1099, %broadcast_in_dim3A_1102, %broadcast_in_dim3A_1103 : vector<16xi1>, vector<16xf32>
      %swap3A_1105 = arith.constant 0 : index
      %swap3A_1106 = tpu.vector_load %arg21[%swap3A_1105] {strides = array<i32>} : memref<32xf32, #tpu.memory_space<vmem>>, vector<16xf32>,
      %swap3A_1107 = vector.shape_cast %swap3A_1106 : vector<16xf32> to vector<16xf32>
      %swap3A_1108 = vector.shape_cast %select_n3A_1104 : vector<16xf32> to vector<16xf32>
      tpu.vector_store %arg21[%swap3A_1105], %swap3A_1108 {strides = array<i32>} : memref<32xf32, #tpu.memory_space<vmem>>, vector<16xf32>,
      %swap3A_1109 = arith.constant 0 : index
      %swap3A_1110 = tpu.vector_load %arg22[%swap3A_1109] {strides = array<i32>} : memref<32xi32, #tpu.memory_space<vmem>>, vector<16xi32>,
      %swap3A_1111 = vector.shape_cast %swap3A_1110 : vector<16xi32> to vector<16xi32>
      %swap3A_1112 = vector.shape_cast %add3A_226 : vector<16xi32> to vector<16xi32>
      tpu.vector_store %arg22[%swap3A_1109], %swap3A_1112 {strides = array<i32>} : memref<32xi32, #tpu.memory_space<vmem>>, vector<16xi32>,
      %jit3A_1113 = arith.constant 5.000000e-01 : f32
      %broadcast_in_dim3A_1114 = vector.broadcast %jit3A_1113 : f32 to vector<16xf32>
      %select_n3A_1115 = arith.select %and3A_1099, %add3A_253, %broadcast_in_dim3A_1114 : vector<16xi1>, vector<16xf32>
      %swap3A_1116 = arith.constant 0 : index
      %swap3A_1117 = tpu.vector_load %arg23[%swap3A_1116] {strides = array<i32>} : memref<32xf32, #tpu.memory_space<vmem>>, vector<16xf32>,
      %swap3A_1118 = vector.shape_cast %swap3A_1117 : vector<16xf32> to vector<16xf32>
      %swap3A_1119 = vector.shape_cast %select_n3A_1115 : vector<16xf32> to vector<16xf32>
      tpu.vector_store %arg23[%swap3A_1116], %swap3A_1119 {strides = array<i32>} : memref<32xf32, #tpu.memory_space<vmem>>, vector<16xf32>,
      %jit3A_1120 = arith.constant 5.000000e-01 : f32
      %broadcast_in_dim3A_1121 = vector.broadcast %jit3A_1120 : f32 to vector<16xf32>
      %select_n3A_1122 = arith.select %and3A_1099, %add3A_258, %broadcast_in_dim3A_1121 : vector<16xi1>, vector<16xf32>
      %swap3A_1123 = arith.constant 0 : index
      %swap3A_1124 = tpu.vector_load %arg24[%swap3A_1123] {strides = array<i32>} : memref<32xf32, #tpu.memory_space<vmem>>, vector<16xf32>,
      %swap3A_1125 = vector.shape_cast %swap3A_1124 : vector<16xf32> to vector<16xf32>
      %swap3A_1126 = vector.shape_cast %select_n3A_1122 : vector<16xf32> to vector<16xf32>
      tpu.vector_store %arg24[%swap3A_1123], %swap3A_1126 {strides = array<i32>} : memref<32xf32, #tpu.memory_space<vmem>>, vector<16xf32>,
      %jit3A_1127 = arith.constant 1.000000e+00 : f32
      %broadcast_in_dim3A_1128 = vector.broadcast %jit3A_1127 : f32 to vector<16xf32>
      %select_n3A_1129 = arith.select %and3A_1099, %div3A, %broadcast_in_dim3A_1128 : vector<16xi1>, vector<16xf32>
      %swap3A_1130 = arith.constant 0 : index
      %swap3A_1131 = tpu.vector_load %arg25[%swap3A_1130] {strides = array<i32>} : memref<32xf32, #tpu.memory_space<vmem>>, vector<16xf32>,
      %swap3A_1132 = vector.shape_cast %swap3A_1131 : vector<16xf32> to vector<16xf32>
      %swap3A_1133 = vector.shape_cast %select_n3A_1129 : vector<16xf32> to vector<16xf32>
      tpu.vector_store %arg25[%swap3A_1130], %swap3A_1133 {strides = array<i32>} : memref<32xf32, #tpu.memory_space<vmem>>, vector<16xf32>,
      %jit3A_1134 = arith.constant 1.000000e+00 : f32
      %broadcast_in_dim3A_1135 = vector.broadcast %jit3A_1134 : f32 to vector<16xf32>
      %select_n3A_1136 = arith.select %and3A_1099, %div3A_315, %broadcast_in_dim3A_1135 : vector<16xi1>, vector<16xf32>
      %swap3A_1137 = arith.constant 0 : index
      %swap3A_1138 = tpu.vector_load %arg26[%swap3A_1137] {strides = array<i32>} : memref<32xf32, #tpu.memory_space<vmem>>, vector<16xf32>,
      %swap3A_1139 = vector.shape_cast %swap3A_1138 : vector<16xf32> to vector<16xf32>
      %swap3A_1140 = vector.shape_cast %select_n3A_1136 : vector<16xf32> to vector<16xf32>
      tpu.vector_store %arg26[%swap3A_1137], %swap3A_1140 {strides = array<i32>} : memref<32xf32, #tpu.memory_space<vmem>>, vector<16xf32>,
      %eq3A_1141 = arith.constant 0 : i32
      %eq3A_1142 = vector.broadcast %eq3A_1141 : i32 to vector<16xi32>
      %eq3A_1143 = arith.cmpi eq, %add3A_226, %eq3A_1142 : vector<16xi32>
      %and3A_1144 = arith.andi %and3A_1099, %eq3A_1143 : vector<16xi1>
      %jit3A_1145 = arith.constant 0 : i32
      %broadcast_in_dim3A_1146 = vector.broadcast %jit3A_1145 : i32 to vector<16xi32>
      %select_n3A_1147 = arith.select %and3A_1144, %add3A_310, %broadcast_in_dim3A_1146 : vector<16xi1>, vector<16xi32>
      %jit3A_1148 = arith.constant 0 : i32
      %jit3A_1149 = arith.constant 196607 : i32
      %max3A_1150 = vector.broadcast %jit3A_1148 : i32 to vector<16xi32>
      %max3A_1151 = arith.maxsi %max3A_1150, %select_n3A_1147 : vector<16xi32>
      %min3A_1152 = vector.broadcast %jit3A_1149 : i32 to vector<16xi32>
      %min3A_1153 = arith.minsi %min3A_1152, %max3A_1151 : vector<16xi32>
      %swap3A_1154 = arith.constant 0 : index
      %swap3A_1155 = tpu.vector_load %arg27[%swap3A_1154] {strides = array<i32>} : memref<32xi32, #tpu.memory_space<vmem>>, vector<16xi32>,
      %swap3A_1156 = vector.shape_cast %swap3A_1155 : vector<16xi32> to vector<16xi32>
      %swap3A_1157 = vector.shape_cast %min3A_1153 : vector<16xi32> to vector<16xi32>
      tpu.vector_store %arg27[%swap3A_1154], %swap3A_1157 {strides = array<i32>} : memref<32xi32, #tpu.memory_space<vmem>>, vector<16xi32>,
      %eq3A_1158 = arith.constant 1 : i32
      %eq3A_1159 = vector.broadcast %eq3A_1158 : i32 to vector<16xi32>
      %eq3A_1160 = arith.cmpi eq, %add3A_226, %eq3A_1159 : vector<16xi32>
      %and3A_1161 = arith.andi %and3A_1099, %eq3A_1160 : vector<16xi1>
      %jit3A_1162 = arith.constant 0 : i32
      %broadcast_in_dim3A_1163 = vector.broadcast %jit3A_1162 : i32 to vector<16xi32>
      %select_n3A_1164 = arith.select %and3A_1161, %add3A_310, %broadcast_in_dim3A_1163 : vector<16xi1>, vector<16xi32>
      %jit3A_1165 = arith.constant 0 : i32
      %jit3A_1166 = arith.constant 49151 : i32
      %max3A_1167 = vector.broadcast %jit3A_1165 : i32 to vector<16xi32>
      %max3A_1168 = arith.maxsi %max3A_1167, %select_n3A_1164 : vector<16xi32>
      %min3A_1169 = vector.broadcast %jit3A_1166 : i32 to vector<16xi32>
      %min3A_1170 = arith.minsi %min3A_1169, %max3A_1168 : vector<16xi32>
      %swap3A_1171 = arith.constant 0 : index
      %swap3A_1172 = tpu.vector_load %arg28[%swap3A_1171] {strides = array<i32>} : memref<32xi32, #tpu.memory_space<vmem>>, vector<16xi32>,
      %swap3A_1173 = vector.shape_cast %swap3A_1172 : vector<16xi32> to vector<16xi32>
      %swap3A_1174 = vector.shape_cast %min3A_1170 : vector<16xi32> to vector<16xi32>
      tpu.vector_store %arg28[%swap3A_1171], %swap3A_1174 {strides = array<i32>} : memref<32xi32, #tpu.memory_space<vmem>>, vector<16xi32>,
      %eq3A_1175 = arith.constant 2 : i32
      %eq3A_1176 = vector.broadcast %eq3A_1175 : i32 to vector<16xi32>
      %eq3A_1177 = arith.cmpi eq, %add3A_226, %eq3A_1176 : vector<16xi32>
      %and3A_1178 = arith.andi %and3A_1099, %eq3A_1177 : vector<16xi1>
      %jit3A_1179 = arith.constant 0 : i32
      %broadcast_in_dim3A_1180 = vector.broadcast %jit3A_1179 : i32 to vector<16xi32>
      %select_n3A_1181 = arith.select %and3A_1178, %add3A_310, %broadcast_in_dim3A_1180 : vector<16xi1>, vector<16xi32>
      %jit3A_1182 = arith.constant 0 : i32
      %jit3A_1183 = arith.constant 12287 : i32
      %max3A_1184 = vector.broadcast %jit3A_1182 : i32 to vector<16xi32>
      %max3A_1185 = arith.maxsi %max3A_1184, %select_n3A_1181 : vector<16xi32>
      %min3A_1186 = vector.broadcast %jit3A_1183 : i32 to vector<16xi32>
      %min3A_1187 = arith.minsi %min3A_1186, %max3A_1185 : vector<16xi32>
      %swap3A_1188 = arith.constant 0 : index
      %swap3A_1189 = tpu.vector_load %arg29[%swap3A_1188] {strides = array<i32>} : memref<32xi32, #tpu.memory_space<vmem>>, vector<16xi32>,
      %swap3A_1190 = vector.shape_cast %swap3A_1189 : vector<16xi32> to vector<16xi32>
      %swap3A_1191 = vector.shape_cast %min3A_1187 : vector<16xi32> to vector<16xi32>
      tpu.vector_store %arg29[%swap3A_1188], %swap3A_1191 {strides = array<i32>} : memref<32xi32, #tpu.memory_space<vmem>>, vector<16xi32>,
      %get3A_1192 = arith.constant 16 : index
      %get3A_1193 = tpu.vector_load %arg20[%get3A_1192] {strides = array<i32>} : memref<32xi32, #tpu.memory_space<vmem>>, vector<16xi32>,
      %get3A_1194 = vector.shape_cast %get3A_1193 : vector<16xi32> to vector<16xi32>
      %eq3A_1195 = arith.constant 0 : i32
      %eq3A_1196 = vector.broadcast %eq3A_1195 : i32 to vector<16xi32>
      %eq3A_1197 = arith.cmpi eq, %get3A_1194, %eq3A_1196 : vector<16xi32>
      %and3A_1198 = arith.andi %and3A_578, %eq3A_1197 : vector<16xi1>
      %jit3A_1199 = arith.constant 1.000000e+00 : f32
      %jit3A_1200 = arith.constant 0.000000e+00 : f32
      %broadcast_in_dim3A_1201 = vector.broadcast %jit3A_1199 : f32 to vector<16xf32>
      %broadcast_in_dim3A_1202 = vector.broadcast %jit3A_1200 : f32 to vector<16xf32>
      %select_n3A_1203 = arith.select %and3A_1198, %broadcast_in_dim3A_1201, %broadcast_in_dim3A_1202 : vector<16xi1>, vector<16xf32>
      %swap3A_1204 = arith.constant 16 : index
      %swap3A_1205 = tpu.vector_load %arg21[%swap3A_1204] {strides = array<i32>} : memref<32xf32, #tpu.memory_space<vmem>>, vector<16xf32>,
      %swap3A_1206 = vector.shape_cast %swap3A_1205 : vector<16xf32> to vector<16xf32>
      %swap3A_1207 = vector.shape_cast %select_n3A_1203 : vector<16xf32> to vector<16xf32>
      tpu.vector_store %arg21[%swap3A_1204], %swap3A_1207 {strides = array<i32>} : memref<32xf32, #tpu.memory_space<vmem>>, vector<16xf32>,
      %swap3A_1208 = arith.constant 16 : index
      %swap3A_1209 = tpu.vector_load %arg22[%swap3A_1208] {strides = array<i32>} : memref<32xi32, #tpu.memory_space<vmem>>, vector<16xi32>,
      %swap3A_1210 = vector.shape_cast %swap3A_1209 : vector<16xi32> to vector<16xi32>
      %swap3A_1211 = vector.shape_cast %add3A_530 : vector<16xi32> to vector<16xi32>
      tpu.vector_store %arg22[%swap3A_1208], %swap3A_1211 {strides = array<i32>} : memref<32xi32, #tpu.memory_space<vmem>>, vector<16xi32>,
      %jit3A_1212 = arith.constant 5.000000e-01 : f32
      %broadcast_in_dim3A_1213 = vector.broadcast %jit3A_1212 : f32 to vector<16xf32>
      %select_n3A_1214 = arith.select %and3A_1198, %add3A_558, %broadcast_in_dim3A_1213 : vector<16xi1>, vector<16xf32>
      %swap3A_1215 = arith.constant 16 : index
      %swap3A_1216 = tpu.vector_load %arg23[%swap3A_1215] {strides = array<i32>} : memref<32xf32, #tpu.memory_space<vmem>>, vector<16xf32>,
      %swap3A_1217 = vector.shape_cast %swap3A_1216 : vector<16xf32> to vector<16xf32>
      %swap3A_1218 = vector.shape_cast %select_n3A_1214 : vector<16xf32> to vector<16xf32>
      tpu.vector_store %arg23[%swap3A_1215], %swap3A_1218 {strides = array<i32>} : memref<32xf32, #tpu.memory_space<vmem>>, vector<16xf32>,
      %jit3A_1219 = arith.constant 5.000000e-01 : f32
      %broadcast_in_dim3A_1220 = vector.broadcast %jit3A_1219 : f32 to vector<16xf32>
      %select_n3A_1221 = arith.select %and3A_1198, %add3A_563, %broadcast_in_dim3A_1220 : vector<16xi1>, vector<16xf32>
      %swap3A_1222 = arith.constant 16 : index
      %swap3A_1223 = tpu.vector_load %arg24[%swap3A_1222] {strides = array<i32>} : memref<32xf32, #tpu.memory_space<vmem>>, vector<16xf32>,
      %swap3A_1224 = vector.shape_cast %swap3A_1223 : vector<16xf32> to vector<16xf32>
      %swap3A_1225 = vector.shape_cast %select_n3A_1221 : vector<16xf32> to vector<16xf32>
      tpu.vector_store %arg24[%swap3A_1222], %swap3A_1225 {strides = array<i32>} : memref<32xf32, #tpu.memory_space<vmem>>, vector<16xf32>,
      %jit3A_1226 = arith.constant 1.000000e+00 : f32
      %broadcast_in_dim3A_1227 = vector.broadcast %jit3A_1226 : f32 to vector<16xf32>
      %select_n3A_1228 = arith.select %and3A_1198, %div3A_623, %broadcast_in_dim3A_1227 : vector<16xi1>, vector<16xf32>
      %swap3A_1229 = arith.constant 16 : index
      %swap3A_1230 = tpu.vector_load %arg25[%swap3A_1229] {strides = array<i32>} : memref<32xf32, #tpu.memory_space<vmem>>, vector<16xf32>,
      %swap3A_1231 = vector.shape_cast %swap3A_1230 : vector<16xf32> to vector<16xf32>
      %swap3A_1232 = vector.shape_cast %select_n3A_1228 : vector<16xf32> to vector<16xf32>
      tpu.vector_store %arg25[%swap3A_1229], %swap3A_1232 {strides = array<i32>} : memref<32xf32, #tpu.memory_space<vmem>>, vector<16xf32>,
      %jit3A_1233 = arith.constant 1.000000e+00 : f32
      %broadcast_in_dim3A_1234 = vector.broadcast %jit3A_1233 : f32 to vector<16xf32>
      %select_n3A_1235 = arith.select %and3A_1198, %div3A_624, %broadcast_in_dim3A_1234 : vector<16xi1>, vector<16xf32>
      %swap3A_1236 = arith.constant 16 : index
      %swap3A_1237 = tpu.vector_load %arg26[%swap3A_1236] {strides = array<i32>} : memref<32xf32, #tpu.memory_space<vmem>>, vector<16xf32>,
      %swap3A_1238 = vector.shape_cast %swap3A_1237 : vector<16xf32> to vector<16xf32>
      %swap3A_1239 = vector.shape_cast %select_n3A_1235 : vector<16xf32> to vector<16xf32>
      tpu.vector_store %arg26[%swap3A_1236], %swap3A_1239 {strides = array<i32>} : memref<32xf32, #tpu.memory_space<vmem>>, vector<16xf32>,
      %eq3A_1240 = arith.constant 0 : i32
      %eq3A_1241 = vector.broadcast %eq3A_1240 : i32 to vector<16xi32>
      %eq3A_1242 = arith.cmpi eq, %add3A_530, %eq3A_1241 : vector<16xi32>
      %and3A_1243 = arith.andi %and3A_1198, %eq3A_1242 : vector<16xi1>
      %jit3A_1244 = arith.constant 0 : i32
      %broadcast_in_dim3A_1245 = vector.broadcast %jit3A_1244 : i32 to vector<16xi32>
      %select_n3A_1246 = arith.select %and3A_1243, %add3A_618, %broadcast_in_dim3A_1245 : vector<16xi1>, vector<16xi32>
      %jit3A_1247 = arith.constant 0 : i32
      %jit3A_1248 = arith.constant 196607 : i32
      %max3A_1249 = vector.broadcast %jit3A_1247 : i32 to vector<16xi32>
      %max3A_1250 = arith.maxsi %max3A_1249, %select_n3A_1246 : vector<16xi32>
      %min3A_1251 = vector.broadcast %jit3A_1248 : i32 to vector<16xi32>
      %min3A_1252 = arith.minsi %min3A_1251, %max3A_1250 : vector<16xi32>
      %swap3A_1253 = arith.constant 16 : index
      %swap3A_1254 = tpu.vector_load %arg27[%swap3A_1253] {strides = array<i32>} : memref<32xi32, #tpu.memory_space<vmem>>, vector<16xi32>,
      %swap3A_1255 = vector.shape_cast %swap3A_1254 : vector<16xi32> to vector<16xi32>
      %swap3A_1256 = vector.shape_cast %min3A_1252 : vector<16xi32> to vector<16xi32>
      tpu.vector_store %arg27[%swap3A_1253], %swap3A_1256 {strides = array<i32>} : memref<32xi32, #tpu.memory_space<vmem>>, vector<16xi32>,
      %eq3A_1257 = arith.constant 1 : i32
      %eq3A_1258 = vector.broadcast %eq3A_1257 : i32 to vector<16xi32>
      %eq3A_1259 = arith.cmpi eq, %add3A_530, %eq3A_1258 : vector<16xi32>
      %and3A_1260 = arith.andi %and3A_1198, %eq3A_1259 : vector<16xi1>
      %jit3A_1261 = arith.constant 0 : i32
      %broadcast_in_dim3A_1262 = vector.broadcast %jit3A_1261 : i32 to vector<16xi32>
      %select_n3A_1263 = arith.select %and3A_1260, %add3A_618, %broadcast_in_dim3A_1262 : vector<16xi1>, vector<16xi32>
      %jit3A_1264 = arith.constant 0 : i32
      %jit3A_1265 = arith.constant 49151 : i32
      %max3A_1266 = vector.broadcast %jit3A_1264 : i32 to vector<16xi32>
      %max3A_1267 = arith.maxsi %max3A_1266, %select_n3A_1263 : vector<16xi32>
      %min3A_1268 = vector.broadcast %jit3A_1265 : i32 to vector<16xi32>
      %min3A_1269 = arith.minsi %min3A_1268, %max3A_1267 : vector<16xi32>
      %swap3A_1270 = arith.constant 16 : index
      %swap3A_1271 = tpu.vector_load %arg28[%swap3A_1270] {strides = array<i32>} : memref<32xi32, #tpu.memory_space<vmem>>, vector<16xi32>,
      %swap3A_1272 = vector.shape_cast %swap3A_1271 : vector<16xi32> to vector<16xi32>
      %swap3A_1273 = vector.shape_cast %min3A_1269 : vector<16xi32> to vector<16xi32>
      tpu.vector_store %arg28[%swap3A_1270], %swap3A_1273 {strides = array<i32>} : memref<32xi32, #tpu.memory_space<vmem>>, vector<16xi32>,
      %eq3A_1274 = arith.constant 2 : i32
      %eq3A_1275 = vector.broadcast %eq3A_1274 : i32 to vector<16xi32>
      %eq3A_1276 = arith.cmpi eq, %add3A_530, %eq3A_1275 : vector<16xi32>
      %and3A_1277 = arith.andi %and3A_1198, %eq3A_1276 : vector<16xi1>
      %jit3A_1278 = arith.constant 0 : i32
      %broadcast_in_dim3A_1279 = vector.broadcast %jit3A_1278 : i32 to vector<16xi32>
      %select_n3A_1280 = arith.select %and3A_1277, %add3A_618, %broadcast_in_dim3A_1279 : vector<16xi1>, vector<16xi32>
      %jit3A_1281 = arith.constant 0 : i32
      %jit3A_1282 = arith.constant 12287 : i32
      %max3A_1283 = vector.broadcast %jit3A_1281 : i32 to vector<16xi32>
      %max3A_1284 = arith.maxsi %max3A_1283, %select_n3A_1280 : vector<16xi32>
      %min3A_1285 = vector.broadcast %jit3A_1282 : i32 to vector<16xi32>
      %min3A_1286 = arith.minsi %min3A_1285, %max3A_1284 : vector<16xi32>
      %swap3A_1287 = arith.constant 16 : index
      %swap3A_1288 = tpu.vector_load %arg29[%swap3A_1287] {strides = array<i32>} : memref<32xi32, #tpu.memory_space<vmem>>, vector<16xi32>,
      %swap3A_1289 = vector.shape_cast %swap3A_1288 : vector<16xi32> to vector<16xi32>
      %swap3A_1290 = vector.shape_cast %min3A_1286 : vector<16xi32> to vector<16xi32>
      tpu.vector_store %arg29[%swap3A_1287], %swap3A_1290 {strides = array<i32>} : memref<32xi32, #tpu.memory_space<vmem>>, vector<16xi32>,
      "tpu.region"() ({
        %run_scoped3A_1291 = tpu.sem_alloc : memref<!tpu.dma_semaphore, #tpu.memory_space<semaphore_mem>>
        %dma_start3A = arith.constant 0 : i32
        %dma_start3A_1292 = tpu.memref_slice %arg6[%add3A, %dma_start3A] : memref<16x32xf32, #tpu.memory_space<hbm>> -> memref<1x32xf32, #tpu.memory_space<hbm>>
        %dma_start3A_1293 = tpu.memref_squeeze %dma_start3A_1292 : memref<1x32xf32, #tpu.memory_space<hbm>> -> memref<32xf32, #tpu.memory_space<hbm>>
        %dma_start3A_1294 = arith.constant 0 : i32
        %dma_start3A_1295 = tpu.memref_slice %arg6[%add3A, %dma_start3A_1294] : memref<16x32xf32, #tpu.memory_space<hbm>> -> memref<1x32xf32, #tpu.memory_space<hbm>>
        %dma_start3A_1296 = tpu.memref_squeeze %dma_start3A_1295 : memref<1x32xf32, #tpu.memory_space<hbm>> -> memref<32xf32, #tpu.memory_space<hbm>>
        tpu.enqueue_dma source(%arg21 : memref<32xf32, #tpu.memory_space<vmem>>) target(%dma_start3A_1296 : memref<32xf32, #tpu.memory_space<hbm>>) target_semaphore(%run_scoped3A_1291 : memref<!tpu.dma_semaphore, #tpu.memory_space<semaphore_mem>>)
        %dma_wait3A = arith.constant 0 : i32
        %dma_wait3A_1297 = tpu.memref_slice %arg6[%add3A, %dma_wait3A] : memref<16x32xf32, #tpu.memory_space<hbm>> -> memref<1x32xf32, #tpu.memory_space<hbm>>
        %dma_wait3A_1298 = tpu.memref_squeeze %dma_wait3A_1297 : memref<1x32xf32, #tpu.memory_space<hbm>> -> memref<32xf32, #tpu.memory_space<hbm>>
        %dma_wait3A_1299 = arith.constant 0 : i32
        %dma_wait3A_1300 = tpu.memref_slice %arg6[%add3A, %dma_wait3A_1299] : memref<16x32xf32, #tpu.memory_space<hbm>> -> memref<1x32xf32, #tpu.memory_space<hbm>>
        %dma_wait3A_1301 = tpu.memref_squeeze %dma_wait3A_1300 : memref<1x32xf32, #tpu.memory_space<hbm>> -> memref<32xf32, #tpu.memory_space<hbm>>
        tpu.wait_dma2 semaphore(%run_scoped3A_1291 : memref<!tpu.dma_semaphore, #tpu.memory_space<semaphore_mem>>) src(%arg21 : memref<32xf32, #tpu.memory_space<vmem>>) dst(%dma_wait3A_1301 : memref<32xf32, #tpu.memory_space<hbm>>)
        tpu.yield
      }) : () -> ()
      "tpu.region"() ({
        %run_scoped3A_1291 = tpu.sem_alloc : memref<!tpu.dma_semaphore, #tpu.memory_space<semaphore_mem>>
        %dma_start3A = arith.constant 0 : i32
        %dma_start3A_1292 = tpu.memref_slice %arg7[%add3A, %dma_start3A] : memref<16x32xi32, #tpu.memory_space<hbm>> -> memref<1x32xi32, #tpu.memory_space<hbm>>
        %dma_start3A_1293 = tpu.memref_squeeze %dma_start3A_1292 : memref<1x32xi32, #tpu.memory_space<hbm>> -> memref<32xi32, #tpu.memory_space<hbm>>
        %dma_start3A_1294 = arith.constant 0 : i32
        %dma_start3A_1295 = tpu.memref_slice %arg7[%add3A, %dma_start3A_1294] : memref<16x32xi32, #tpu.memory_space<hbm>> -> memref<1x32xi32, #tpu.memory_space<hbm>>
        %dma_start3A_1296 = tpu.memref_squeeze %dma_start3A_1295 : memref<1x32xi32, #tpu.memory_space<hbm>> -> memref<32xi32, #tpu.memory_space<hbm>>
        tpu.enqueue_dma source(%arg22 : memref<32xi32, #tpu.memory_space<vmem>>) target(%dma_start3A_1296 : memref<32xi32, #tpu.memory_space<hbm>>) target_semaphore(%run_scoped3A_1291 : memref<!tpu.dma_semaphore, #tpu.memory_space<semaphore_mem>>)
        %dma_wait3A = arith.constant 0 : i32
        %dma_wait3A_1297 = tpu.memref_slice %arg7[%add3A, %dma_wait3A] : memref<16x32xi32, #tpu.memory_space<hbm>> -> memref<1x32xi32, #tpu.memory_space<hbm>>
        %dma_wait3A_1298 = tpu.memref_squeeze %dma_wait3A_1297 : memref<1x32xi32, #tpu.memory_space<hbm>> -> memref<32xi32, #tpu.memory_space<hbm>>
        %dma_wait3A_1299 = arith.constant 0 : i32
        %dma_wait3A_1300 = tpu.memref_slice %arg7[%add3A, %dma_wait3A_1299] : memref<16x32xi32, #tpu.memory_space<hbm>> -> memref<1x32xi32, #tpu.memory_space<hbm>>
        %dma_wait3A_1301 = tpu.memref_squeeze %dma_wait3A_1300 : memref<1x32xi32, #tpu.memory_space<hbm>> -> memref<32xi32, #tpu.memory_space<hbm>>
        tpu.wait_dma2 semaphore(%run_scoped3A_1291 : memref<!tpu.dma_semaphore, #tpu.memory_space<semaphore_mem>>) src(%arg22 : memref<32xi32, #tpu.memory_space<vmem>>) dst(%dma_wait3A_1301 : memref<32xi32, #tpu.memory_space<hbm>>)
        tpu.yield
      }) : () -> ()
      "tpu.region"() ({
        %run_scoped3A_1291 = tpu.sem_alloc : memref<!tpu.dma_semaphore, #tpu.memory_space<semaphore_mem>>
        %dma_start3A = arith.constant 0 : i32
        %dma_start3A_1292 = tpu.memref_slice %arg8[%add3A, %dma_start3A] : memref<16x32xf32, #tpu.memory_space<hbm>> -> memref<1x32xf32, #tpu.memory_space<hbm>>
        %dma_start3A_1293 = tpu.memref_squeeze %dma_start3A_1292 : memref<1x32xf32, #tpu.memory_space<hbm>> -> memref<32xf32, #tpu.memory_space<hbm>>
        %dma_start3A_1294 = arith.constant 0 : i32
        %dma_start3A_1295 = tpu.memref_slice %arg8[%add3A, %dma_start3A_1294] : memref<16x32xf32, #tpu.memory_space<hbm>> -> memref<1x32xf32, #tpu.memory_space<hbm>>
        %dma_start3A_1296 = tpu.memref_squeeze %dma_start3A_1295 : memref<1x32xf32, #tpu.memory_space<hbm>> -> memref<32xf32, #tpu.memory_space<hbm>>
        tpu.enqueue_dma source(%arg23 : memref<32xf32, #tpu.memory_space<vmem>>) target(%dma_start3A_1296 : memref<32xf32, #tpu.memory_space<hbm>>) target_semaphore(%run_scoped3A_1291 : memref<!tpu.dma_semaphore, #tpu.memory_space<semaphore_mem>>)
        %dma_wait3A = arith.constant 0 : i32
        %dma_wait3A_1297 = tpu.memref_slice %arg8[%add3A, %dma_wait3A] : memref<16x32xf32, #tpu.memory_space<hbm>> -> memref<1x32xf32, #tpu.memory_space<hbm>>
        %dma_wait3A_1298 = tpu.memref_squeeze %dma_wait3A_1297 : memref<1x32xf32, #tpu.memory_space<hbm>> -> memref<32xf32, #tpu.memory_space<hbm>>
        %dma_wait3A_1299 = arith.constant 0 : i32
        %dma_wait3A_1300 = tpu.memref_slice %arg8[%add3A, %dma_wait3A_1299] : memref<16x32xf32, #tpu.memory_space<hbm>> -> memref<1x32xf32, #tpu.memory_space<hbm>>
        %dma_wait3A_1301 = tpu.memref_squeeze %dma_wait3A_1300 : memref<1x32xf32, #tpu.memory_space<hbm>> -> memref<32xf32, #tpu.memory_space<hbm>>
        tpu.wait_dma2 semaphore(%run_scoped3A_1291 : memref<!tpu.dma_semaphore, #tpu.memory_space<semaphore_mem>>) src(%arg23 : memref<32xf32, #tpu.memory_space<vmem>>) dst(%dma_wait3A_1301 : memref<32xf32, #tpu.memory_space<hbm>>)
        tpu.yield
      }) : () -> ()
      "tpu.region"() ({
        %run_scoped3A_1291 = tpu.sem_alloc : memref<!tpu.dma_semaphore, #tpu.memory_space<semaphore_mem>>
        %dma_start3A = arith.constant 0 : i32
        %dma_start3A_1292 = tpu.memref_slice %arg9[%add3A, %dma_start3A] : memref<16x32xf32, #tpu.memory_space<hbm>> -> memref<1x32xf32, #tpu.memory_space<hbm>>
        %dma_start3A_1293 = tpu.memref_squeeze %dma_start3A_1292 : memref<1x32xf32, #tpu.memory_space<hbm>> -> memref<32xf32, #tpu.memory_space<hbm>>
        %dma_start3A_1294 = arith.constant 0 : i32
        %dma_start3A_1295 = tpu.memref_slice %arg9[%add3A, %dma_start3A_1294] : memref<16x32xf32, #tpu.memory_space<hbm>> -> memref<1x32xf32, #tpu.memory_space<hbm>>
        %dma_start3A_1296 = tpu.memref_squeeze %dma_start3A_1295 : memref<1x32xf32, #tpu.memory_space<hbm>> -> memref<32xf32, #tpu.memory_space<hbm>>
        tpu.enqueue_dma source(%arg24 : memref<32xf32, #tpu.memory_space<vmem>>) target(%dma_start3A_1296 : memref<32xf32, #tpu.memory_space<hbm>>) target_semaphore(%run_scoped3A_1291 : memref<!tpu.dma_semaphore, #tpu.memory_space<semaphore_mem>>)
        %dma_wait3A = arith.constant 0 : i32
        %dma_wait3A_1297 = tpu.memref_slice %arg9[%add3A, %dma_wait3A] : memref<16x32xf32, #tpu.memory_space<hbm>> -> memref<1x32xf32, #tpu.memory_space<hbm>>
        %dma_wait3A_1298 = tpu.memref_squeeze %dma_wait3A_1297 : memref<1x32xf32, #tpu.memory_space<hbm>> -> memref<32xf32, #tpu.memory_space<hbm>>
        %dma_wait3A_1299 = arith.constant 0 : i32
        %dma_wait3A_1300 = tpu.memref_slice %arg9[%add3A, %dma_wait3A_1299] : memref<16x32xf32, #tpu.memory_space<hbm>> -> memref<1x32xf32, #tpu.memory_space<hbm>>
        %dma_wait3A_1301 = tpu.memref_squeeze %dma_wait3A_1300 : memref<1x32xf32, #tpu.memory_space<hbm>> -> memref<32xf32, #tpu.memory_space<hbm>>
        tpu.wait_dma2 semaphore(%run_scoped3A_1291 : memref<!tpu.dma_semaphore, #tpu.memory_space<semaphore_mem>>) src(%arg24 : memref<32xf32, #tpu.memory_space<vmem>>) dst(%dma_wait3A_1301 : memref<32xf32, #tpu.memory_space<hbm>>)
        tpu.yield
      }) : () -> ()
      "tpu.region"() ({
        %run_scoped3A_1291 = tpu.sem_alloc : memref<!tpu.dma_semaphore, #tpu.memory_space<semaphore_mem>>
        %dma_start3A = arith.constant 0 : i32
        %dma_start3A_1292 = tpu.memref_slice %arg10[%add3A, %dma_start3A] : memref<16x32xf32, #tpu.memory_space<hbm>> -> memref<1x32xf32, #tpu.memory_space<hbm>>
        %dma_start3A_1293 = tpu.memref_squeeze %dma_start3A_1292 : memref<1x32xf32, #tpu.memory_space<hbm>> -> memref<32xf32, #tpu.memory_space<hbm>>
        %dma_start3A_1294 = arith.constant 0 : i32
        %dma_start3A_1295 = tpu.memref_slice %arg10[%add3A, %dma_start3A_1294] : memref<16x32xf32, #tpu.memory_space<hbm>> -> memref<1x32xf32, #tpu.memory_space<hbm>>
        %dma_start3A_1296 = tpu.memref_squeeze %dma_start3A_1295 : memref<1x32xf32, #tpu.memory_space<hbm>> -> memref<32xf32, #tpu.memory_space<hbm>>
        tpu.enqueue_dma source(%arg25 : memref<32xf32, #tpu.memory_space<vmem>>) target(%dma_start3A_1296 : memref<32xf32, #tpu.memory_space<hbm>>) target_semaphore(%run_scoped3A_1291 : memref<!tpu.dma_semaphore, #tpu.memory_space<semaphore_mem>>)
        %dma_wait3A = arith.constant 0 : i32
        %dma_wait3A_1297 = tpu.memref_slice %arg10[%add3A, %dma_wait3A] : memref<16x32xf32, #tpu.memory_space<hbm>> -> memref<1x32xf32, #tpu.memory_space<hbm>>
        %dma_wait3A_1298 = tpu.memref_squeeze %dma_wait3A_1297 : memref<1x32xf32, #tpu.memory_space<hbm>> -> memref<32xf32, #tpu.memory_space<hbm>>
        %dma_wait3A_1299 = arith.constant 0 : i32
        %dma_wait3A_1300 = tpu.memref_slice %arg10[%add3A, %dma_wait3A_1299] : memref<16x32xf32, #tpu.memory_space<hbm>> -> memref<1x32xf32, #tpu.memory_space<hbm>>
        %dma_wait3A_1301 = tpu.memref_squeeze %dma_wait3A_1300 : memref<1x32xf32, #tpu.memory_space<hbm>> -> memref<32xf32, #tpu.memory_space<hbm>>
        tpu.wait_dma2 semaphore(%run_scoped3A_1291 : memref<!tpu.dma_semaphore, #tpu.memory_space<semaphore_mem>>) src(%arg25 : memref<32xf32, #tpu.memory_space<vmem>>) dst(%dma_wait3A_1301 : memref<32xf32, #tpu.memory_space<hbm>>)
        tpu.yield
      }) : () -> ()
      "tpu.region"() ({
        %run_scoped3A_1291 = tpu.sem_alloc : memref<!tpu.dma_semaphore, #tpu.memory_space<semaphore_mem>>
        %dma_start3A = arith.constant 0 : i32
        %dma_start3A_1292 = tpu.memref_slice %arg11[%add3A, %dma_start3A] : memref<16x32xf32, #tpu.memory_space<hbm>> -> memref<1x32xf32, #tpu.memory_space<hbm>>
        %dma_start3A_1293 = tpu.memref_squeeze %dma_start3A_1292 : memref<1x32xf32, #tpu.memory_space<hbm>> -> memref<32xf32, #tpu.memory_space<hbm>>
        %dma_start3A_1294 = arith.constant 0 : i32
        %dma_start3A_1295 = tpu.memref_slice %arg11[%add3A, %dma_start3A_1294] : memref<16x32xf32, #tpu.memory_space<hbm>> -> memref<1x32xf32, #tpu.memory_space<hbm>>
        %dma_start3A_1296 = tpu.memref_squeeze %dma_start3A_1295 : memref<1x32xf32, #tpu.memory_space<hbm>> -> memref<32xf32, #tpu.memory_space<hbm>>
        tpu.enqueue_dma source(%arg26 : memref<32xf32, #tpu.memory_space<vmem>>) target(%dma_start3A_1296 : memref<32xf32, #tpu.memory_space<hbm>>) target_semaphore(%run_scoped3A_1291 : memref<!tpu.dma_semaphore, #tpu.memory_space<semaphore_mem>>)
        %dma_wait3A = arith.constant 0 : i32
        %dma_wait3A_1297 = tpu.memref_slice %arg11[%add3A, %dma_wait3A] : memref<16x32xf32, #tpu.memory_space<hbm>> -> memref<1x32xf32, #tpu.memory_space<hbm>>
        %dma_wait3A_1298 = tpu.memref_squeeze %dma_wait3A_1297 : memref<1x32xf32, #tpu.memory_space<hbm>> -> memref<32xf32, #tpu.memory_space<hbm>>
        %dma_wait3A_1299 = arith.constant 0 : i32
        %dma_wait3A_1300 = tpu.memref_slice %arg11[%add3A, %dma_wait3A_1299] : memref<16x32xf32, #tpu.memory_space<hbm>> -> memref<1x32xf32, #tpu.memory_space<hbm>>
        %dma_wait3A_1301 = tpu.memref_squeeze %dma_wait3A_1300 : memref<1x32xf32, #tpu.memory_space<hbm>> -> memref<32xf32, #tpu.memory_space<hbm>>
        tpu.wait_dma2 semaphore(%run_scoped3A_1291 : memref<!tpu.dma_semaphore, #tpu.memory_space<semaphore_mem>>) src(%arg26 : memref<32xf32, #tpu.memory_space<vmem>>) dst(%dma_wait3A_1301 : memref<32xf32, #tpu.memory_space<hbm>>)
        tpu.yield
      }) : () -> ()
      "tpu.region"() ({
        %run_scoped3A_1291 = tpu.sem_alloc : memref<!tpu.dma_semaphore, #tpu.memory_space<semaphore_mem>>
        %dma_start3A = arith.constant 0 : i32
        %dma_start3A_1292 = tpu.memref_slice %arg12[%add3A, %dma_start3A] : memref<16x32xi32, #tpu.memory_space<hbm>> -> memref<1x32xi32, #tpu.memory_space<hbm>>
        %dma_start3A_1293 = tpu.memref_squeeze %dma_start3A_1292 : memref<1x32xi32, #tpu.memory_space<hbm>> -> memref<32xi32, #tpu.memory_space<hbm>>
        %dma_start3A_1294 = arith.constant 0 : i32
        %dma_start3A_1295 = tpu.memref_slice %arg12[%add3A, %dma_start3A_1294] : memref<16x32xi32, #tpu.memory_space<hbm>> -> memref<1x32xi32, #tpu.memory_space<hbm>>
        %dma_start3A_1296 = tpu.memref_squeeze %dma_start3A_1295 : memref<1x32xi32, #tpu.memory_space<hbm>> -> memref<32xi32, #tpu.memory_space<hbm>>
        tpu.enqueue_dma source(%arg27 : memref<32xi32, #tpu.memory_space<vmem>>) target(%dma_start3A_1296 : memref<32xi32, #tpu.memory_space<hbm>>) target_semaphore(%run_scoped3A_1291 : memref<!tpu.dma_semaphore, #tpu.memory_space<semaphore_mem>>)
        %dma_wait3A = arith.constant 0 : i32
        %dma_wait3A_1297 = tpu.memref_slice %arg12[%add3A, %dma_wait3A] : memref<16x32xi32, #tpu.memory_space<hbm>> -> memref<1x32xi32, #tpu.memory_space<hbm>>
        %dma_wait3A_1298 = tpu.memref_squeeze %dma_wait3A_1297 : memref<1x32xi32, #tpu.memory_space<hbm>> -> memref<32xi32, #tpu.memory_space<hbm>>
        %dma_wait3A_1299 = arith.constant 0 : i32
        %dma_wait3A_1300 = tpu.memref_slice %arg12[%add3A, %dma_wait3A_1299] : memref<16x32xi32, #tpu.memory_space<hbm>> -> memref<1x32xi32, #tpu.memory_space<hbm>>
        %dma_wait3A_1301 = tpu.memref_squeeze %dma_wait3A_1300 : memref<1x32xi32, #tpu.memory_space<hbm>> -> memref<32xi32, #tpu.memory_space<hbm>>
        tpu.wait_dma2 semaphore(%run_scoped3A_1291 : memref<!tpu.dma_semaphore, #tpu.memory_space<semaphore_mem>>) src(%arg27 : memref<32xi32, #tpu.memory_space<vmem>>) dst(%dma_wait3A_1301 : memref<32xi32, #tpu.memory_space<hbm>>)
        tpu.yield
      }) : () -> ()
      "tpu.region"() ({
        %run_scoped3A_1291 = tpu.sem_alloc : memref<!tpu.dma_semaphore, #tpu.memory_space<semaphore_mem>>
        %dma_start3A = arith.constant 0 : i32
        %dma_start3A_1292 = tpu.memref_slice %arg13[%add3A, %dma_start3A] : memref<16x32xi32, #tpu.memory_space<hbm>> -> memref<1x32xi32, #tpu.memory_space<hbm>>
        %dma_start3A_1293 = tpu.memref_squeeze %dma_start3A_1292 : memref<1x32xi32, #tpu.memory_space<hbm>> -> memref<32xi32, #tpu.memory_space<hbm>>
        %dma_start3A_1294 = arith.constant 0 : i32
        %dma_start3A_1295 = tpu.memref_slice %arg13[%add3A, %dma_start3A_1294] : memref<16x32xi32, #tpu.memory_space<hbm>> -> memref<1x32xi32, #tpu.memory_space<hbm>>
        %dma_start3A_1296 = tpu.memref_squeeze %dma_start3A_1295 : memref<1x32xi32, #tpu.memory_space<hbm>> -> memref<32xi32, #tpu.memory_space<hbm>>
        tpu.enqueue_dma source(%arg28 : memref<32xi32, #tpu.memory_space<vmem>>) target(%dma_start3A_1296 : memref<32xi32, #tpu.memory_space<hbm>>) target_semaphore(%run_scoped3A_1291 : memref<!tpu.dma_semaphore, #tpu.memory_space<semaphore_mem>>)
        %dma_wait3A = arith.constant 0 : i32
        %dma_wait3A_1297 = tpu.memref_slice %arg13[%add3A, %dma_wait3A] : memref<16x32xi32, #tpu.memory_space<hbm>> -> memref<1x32xi32, #tpu.memory_space<hbm>>
        %dma_wait3A_1298 = tpu.memref_squeeze %dma_wait3A_1297 : memref<1x32xi32, #tpu.memory_space<hbm>> -> memref<32xi32, #tpu.memory_space<hbm>>
        %dma_wait3A_1299 = arith.constant 0 : i32
        %dma_wait3A_1300 = tpu.memref_slice %arg13[%add3A, %dma_wait3A_1299] : memref<16x32xi32, #tpu.memory_space<hbm>> -> memref<1x32xi32, #tpu.memory_space<hbm>>
        %dma_wait3A_1301 = tpu.memref_squeeze %dma_wait3A_1300 : memref<1x32xi32, #tpu.memory_space<hbm>> -> memref<32xi32, #tpu.memory_space<hbm>>
        tpu.wait_dma2 semaphore(%run_scoped3A_1291 : memref<!tpu.dma_semaphore, #tpu.memory_space<semaphore_mem>>) src(%arg28 : memref<32xi32, #tpu.memory_space<vmem>>) dst(%dma_wait3A_1301 : memref<32xi32, #tpu.memory_space<hbm>>)
        tpu.yield
      }) : () -> ()
      "tpu.region"() ({
        %run_scoped3A_1291 = tpu.sem_alloc : memref<!tpu.dma_semaphore, #tpu.memory_space<semaphore_mem>>
        %dma_start3A = arith.constant 0 : i32
        %dma_start3A_1292 = tpu.memref_slice %arg14[%add3A, %dma_start3A] : memref<16x32xi32, #tpu.memory_space<hbm>> -> memref<1x32xi32, #tpu.memory_space<hbm>>
        %dma_start3A_1293 = tpu.memref_squeeze %dma_start3A_1292 : memref<1x32xi32, #tpu.memory_space<hbm>> -> memref<32xi32, #tpu.memory_space<hbm>>
        %dma_start3A_1294 = arith.constant 0 : i32
        %dma_start3A_1295 = tpu.memref_slice %arg14[%add3A, %dma_start3A_1294] : memref<16x32xi32, #tpu.memory_space<hbm>> -> memref<1x32xi32, #tpu.memory_space<hbm>>
        %dma_start3A_1296 = tpu.memref_squeeze %dma_start3A_1295 : memref<1x32xi32, #tpu.memory_space<hbm>> -> memref<32xi32, #tpu.memory_space<hbm>>
        tpu.enqueue_dma source(%arg29 : memref<32xi32, #tpu.memory_space<vmem>>) target(%dma_start3A_1296 : memref<32xi32, #tpu.memory_space<hbm>>) target_semaphore(%run_scoped3A_1291 : memref<!tpu.dma_semaphore, #tpu.memory_space<semaphore_mem>>)
        %dma_wait3A = arith.constant 0 : i32
        %dma_wait3A_1297 = tpu.memref_slice %arg14[%add3A, %dma_wait3A] : memref<16x32xi32, #tpu.memory_space<hbm>> -> memref<1x32xi32, #tpu.memory_space<hbm>>
        %dma_wait3A_1298 = tpu.memref_squeeze %dma_wait3A_1297 : memref<1x32xi32, #tpu.memory_space<hbm>> -> memref<32xi32, #tpu.memory_space<hbm>>
        %dma_wait3A_1299 = arith.constant 0 : i32
        %dma_wait3A_1300 = tpu.memref_slice %arg14[%add3A, %dma_wait3A_1299] : memref<16x32xi32, #tpu.memory_space<hbm>> -> memref<1x32xi32, #tpu.memory_space<hbm>>
        %dma_wait3A_1301 = tpu.memref_squeeze %dma_wait3A_1300 : memref<1x32xi32, #tpu.memory_space<hbm>> -> memref<32xi32, #tpu.memory_space<hbm>>
        tpu.wait_dma2 semaphore(%run_scoped3A_1291 : memref<!tpu.dma_semaphore, #tpu.memory_space<semaphore_mem>>) src(%arg29 : memref<32xi32, #tpu.memory_space<vmem>>) dst(%dma_wait3A_1301 : memref<32xi32, #tpu.memory_space<hbm>>)
        tpu.yield
      }) : () -> ()
    } else {
    }
    return
  }
}

module attributes {stable_mosaic.version = 14 : i64} {
  func.func @_dense_body(%arg0: i32, %arg1: memref<4096x85xf32, #tpu.memory_space<vmem>>, %arg2: memref<1024x85xf32, #tpu.memory_space<vmem>>, %arg3: memref<256x85xf32, #tpu.memory_space<vmem>>, %arg4: memref<1x1xf32, #tpu.memory_space<smem>>) attributes {dimension_semantics = [#tpu.dimension_semantics<arbitrary>], iteration_bounds = array<i64: 48>, scalar_prefetch = 0 : i64, scratch_operands = 0 : i64, tpu.core_type = #tpu.core_type<tc>, window_params = [{transform_indices = @transform_0, window_bounds = array<i64: 4096, 85>}, {transform_indices = @transform_1, window_bounds = array<i64: 1024, 85>}, {transform_indices = @transform_2, window_bounds = array<i64: 256, 85>}, {transform_indices = @transform_3, window_bounds = array<i64: 1, 1>}]} {
    %eq3A = arith.constant 0 : i32
    %eq3A_0 = arith.cmpi eq, %arg0, %eq3A : i32
    %convert_element_type3A = arith.extui %eq3A_0 : i1 to i32
    %cond3A = arith.constant 0 : i32
    %cond3A_1 = arith.cmpi ne, %convert_element_type3A, %cond3A : i32
    scf.if %cond3A_1 {
      %swap3A_59 = arith.constant 0.000000e+00 : f32
      %swap3A_60 = arith.constant 0 : index
      %swap3A_61 = arith.constant 0 : index
      %swap3A_62 = memref.load %arg4[%swap3A_60, %swap3A_61] : memref<1x1xf32, #tpu.memory_space<smem>>
      memref.store %swap3A_59, %arg4[%swap3A_60, %swap3A_61] : memref<1x1xf32, #tpu.memory_space<smem>>
    } else {
    }
    %get3A = arith.constant 0 : index
    %get3A_2 = arith.constant 4 : index
    %get3A_3 = vector.load %arg1[%get3A, %get3A_2] : memref<4096x85xf32, #tpu.memory_space<vmem>>, vector<4096x1xf32>
    %get3A_4 = vector.shape_cast %get3A_3 : vector<4096x1xf32> to vector<4096xf32>
    %max3A = arith.constant 0.000000e+00 : f32
    %max3A_5 = vector.broadcast %max3A : f32 to vector<4096xf32>
    %max3A_6 = arith.maximumf %get3A_4, %max3A_5 : vector<4096xf32>
    %abs3A = math.absf %get3A_4 : vector<4096xf32>
    %neg3A = arith.constant 0.000000e+00 : f32
    %neg3A_7 = vector.broadcast %neg3A : f32 to vector<4096xf32>
    %neg3A_8 = arith.subf %neg3A_7, %abs3A : vector<4096xf32>
    %exp3A = math.exp %neg3A_8 : vector<4096xf32>
    %log1p3A = math.log1p %exp3A : vector<4096xf32>
    %add3A = arith.addf %max3A_6, %log1p3A : vector<4096xf32>
    %reduce_sum3A = vector.shape_cast %add3A : vector<4096xf32> to vector<1x4096xf32>
    %reduce_sum3A_9 = arith.constant dense<0.000000e+00> : vector<1xf32>
    %reduce_sum3A_10 = vector.multi_reduction <add>, %reduce_sum3A, %reduce_sum3A_9 [1] : vector<1x4096xf32> to vector<1xf32>
    %reduce_sum3A_11 = vector.shape_cast %reduce_sum3A_10 : vector<1xf32> to vector<1x1xf32>
    %reduce_sum3A_12 = vector.extract %reduce_sum3A_11[0, 0] : f32 from vector<1x1xf32>
    %get3A_13 = arith.constant 0 : index
    %get3A_14 = arith.constant 4 : index
    %get3A_15 = vector.load %arg2[%get3A_13, %get3A_14] : memref<1024x85xf32, #tpu.memory_space<vmem>>, vector<1024x1xf32>
    %get3A_16 = vector.shape_cast %get3A_15 : vector<1024x1xf32> to vector<1024xf32>
    %max3A_17 = arith.constant 0.000000e+00 : f32
    %max3A_18 = vector.broadcast %max3A_17 : f32 to vector<1024xf32>
    %max3A_19 = arith.maximumf %get3A_16, %max3A_18 : vector<1024xf32>
    %abs3A_20 = math.absf %get3A_16 : vector<1024xf32>
    %neg3A_21 = arith.constant 0.000000e+00 : f32
    %neg3A_22 = vector.broadcast %neg3A_21 : f32 to vector<1024xf32>
    %neg3A_23 = arith.subf %neg3A_22, %abs3A_20 : vector<1024xf32>
    %exp3A_24 = math.exp %neg3A_23 : vector<1024xf32>
    %log1p3A_25 = math.log1p %exp3A_24 : vector<1024xf32>
    %add3A_26 = arith.addf %max3A_19, %log1p3A_25 : vector<1024xf32>
    %reduce_sum3A_27 = vector.shape_cast %add3A_26 : vector<1024xf32> to vector<1x1024xf32>
    %reduce_sum3A_28 = arith.constant dense<0.000000e+00> : vector<1xf32>
    %reduce_sum3A_29 = vector.multi_reduction <add>, %reduce_sum3A_27, %reduce_sum3A_28 [1] : vector<1x1024xf32> to vector<1xf32>
    %reduce_sum3A_30 = vector.shape_cast %reduce_sum3A_29 : vector<1xf32> to vector<1x1xf32>
    %reduce_sum3A_31 = vector.extract %reduce_sum3A_30[0, 0] : f32 from vector<1x1xf32>
    %add3A_32 = arith.addf %reduce_sum3A_12, %reduce_sum3A_31 : f32
    %get3A_33 = arith.constant 0 : index
    %get3A_34 = arith.constant 4 : index
    %get3A_35 = vector.load %arg3[%get3A_33, %get3A_34] : memref<256x85xf32, #tpu.memory_space<vmem>>, vector<256x1xf32>
    %get3A_36 = vector.shape_cast %get3A_35 : vector<256x1xf32> to vector<256xf32>
    %max3A_37 = arith.constant 0.000000e+00 : f32
    %max3A_38 = vector.broadcast %max3A_37 : f32 to vector<256xf32>
    %max3A_39 = arith.maximumf %get3A_36, %max3A_38 : vector<256xf32>
    %abs3A_40 = math.absf %get3A_36 : vector<256xf32>
    %neg3A_41 = arith.constant 0.000000e+00 : f32
    %neg3A_42 = vector.broadcast %neg3A_41 : f32 to vector<256xf32>
    %neg3A_43 = arith.subf %neg3A_42, %abs3A_40 : vector<256xf32>
    %exp3A_44 = math.exp %neg3A_43 : vector<256xf32>
    %log1p3A_45 = math.log1p %exp3A_44 : vector<256xf32>
    %add3A_46 = arith.addf %max3A_39, %log1p3A_45 : vector<256xf32>
    %reduce_sum3A_47 = vector.shape_cast %add3A_46 : vector<256xf32> to vector<1x256xf32>
    %reduce_sum3A_48 = arith.constant dense<0.000000e+00> : vector<1xf32>
    %reduce_sum3A_49 = vector.multi_reduction <add>, %reduce_sum3A_47, %reduce_sum3A_48 [1] : vector<1x256xf32> to vector<1xf32>
    %reduce_sum3A_50 = vector.shape_cast %reduce_sum3A_49 : vector<1xf32> to vector<1x1xf32>
    %reduce_sum3A_51 = vector.extract %reduce_sum3A_50[0, 0] : f32 from vector<1x1xf32>
    %add3A_52 = arith.addf %add3A_32, %reduce_sum3A_51 : f32
    %get3A_53 = arith.constant 0 : index
    %get3A_54 = arith.constant 0 : index
    %get3A_55 = memref.load %arg4[%get3A_53, %get3A_54] : memref<1x1xf32, #tpu.memory_space<smem>>
    %add3A_56 = arith.addf %get3A_55, %add3A_52 : f32
    %swap3A = arith.constant 0 : index
    %swap3A_57 = arith.constant 0 : index
    %swap3A_58 = memref.load %arg4[%swap3A, %swap3A_57] : memref<1x1xf32, #tpu.memory_space<smem>>
    memref.store %add3A_56, %arg4[%swap3A, %swap3A_57] : memref<1x1xf32, #tpu.memory_space<smem>>
    return
  }
  func.func @transform_0(%arg0: i32) -> (i32, i32) {
    %c0_i32 = arith.constant 0 : i32
    %c0_i32_0 = arith.constant 0 : i32
    return %arg0, %c0_i32 : i32, i32
  }
  func.func @transform_1(%arg0: i32) -> (i32, i32) {
    %c0_i32 = arith.constant 0 : i32
    %c0_i32_0 = arith.constant 0 : i32
    return %arg0, %c0_i32 : i32, i32
  }
  func.func @transform_2(%arg0: i32) -> (i32, i32) {
    %c0_i32 = arith.constant 0 : i32
    %c0_i32_0 = arith.constant 0 : i32
    return %arg0, %c0_i32 : i32, i32
  }
  func.func @transform_3(%arg0: i32) -> (i32, i32) {
    %c0_i32 = arith.constant 0 : i32
    %c0_i32_0 = arith.constant 0 : i32
    %c0_i32_1 = arith.constant 0 : i32
    return %c0_i32, %c0_i32_0 : i32, i32
  }
}

module attributes {stable_mosaic.version = 14 : i64} {
  func.func @_combine_body(%arg0: memref<512x1xf32, #tpu.memory_space<vmem>>, %arg1: memref<512x1xi32, #tpu.memory_space<vmem>>, %arg2: memref<512x1xf32, #tpu.memory_space<vmem>>, %arg3: memref<512x1xf32, #tpu.memory_space<vmem>>, %arg4: memref<512x1xf32, #tpu.memory_space<vmem>>, %arg5: memref<512x1xf32, #tpu.memory_space<vmem>>, %arg6: memref<512x1xi32, #tpu.memory_space<vmem>>, %arg7: memref<512x85xf32, #tpu.memory_space<vmem>>, %arg8: memref<512x85xf32, #tpu.memory_space<vmem>>, %arg9: memref<512x85xf32, #tpu.memory_space<vmem>>, %arg10: memref<1x1xf32, #tpu.memory_space<smem>>, %arg11: memref<1x4xf32, #tpu.memory_space<smem>>) attributes {dimension_semantics = [], scalar_prefetch = 0 : i64, scratch_operands = 0 : i64, tpu.core_type = #tpu.core_type<tc>} {
    %get3A = arith.constant 0 : index
    %get3A_0 = arith.constant 0 : index
    %get3A_1 = vector.load %arg0[%get3A, %get3A_0] : memref<512x1xf32, #tpu.memory_space<vmem>>, vector<512x1xf32>
    %get3A_2 = arith.constant 0 : index
    %get3A_3 = arith.constant 0 : index
    %get3A_4 = vector.load %arg1[%get3A_2, %get3A_3] : memref<512x1xi32, #tpu.memory_space<vmem>>, vector<512x1xi32>
    %eq3A = arith.constant 0 : i32
    %eq3A_5 = vector.broadcast %eq3A : i32 to vector<512x1xi32>
    %eq3A_6 = arith.cmpi eq, %get3A_4, %eq3A_5 : vector<512x1xi32>
    %get3A_7 = arith.constant 0 : index
    %get3A_8 = arith.constant 0 : index
    %get3A_9 = vector.load %arg7[%get3A_7, %get3A_8] : memref<512x85xf32, #tpu.memory_space<vmem>>, vector<512x85xf32>
    %eq3A_10 = arith.constant 1 : i32
    %eq3A_11 = vector.broadcast %eq3A_10 : i32 to vector<512x1xi32>
    %eq3A_12 = arith.cmpi eq, %get3A_4, %eq3A_11 : vector<512x1xi32>
    %get3A_13 = arith.constant 0 : index
    %get3A_14 = arith.constant 0 : index
    %get3A_15 = vector.load %arg8[%get3A_13, %get3A_14] : memref<512x85xf32, #tpu.memory_space<vmem>>, vector<512x85xf32>
    %get3A_16 = arith.constant 0 : index
    %get3A_17 = arith.constant 0 : index
    %get3A_18 = vector.load %arg9[%get3A_16, %get3A_17] : memref<512x85xf32, #tpu.memory_space<vmem>>, vector<512x85xf32>
    %broadcast_in_dim3A = vector.shape_cast %eq3A_12 : vector<512x1xi1> to vector<512x1xi1>
    %broadcast_in_dim3A_19 = vector.broadcast %broadcast_in_dim3A : vector<512x1xi1> to vector<512x85xi1>
    %select_n3A = arith.select %broadcast_in_dim3A_19, %get3A_15, %get3A_18 : vector<512x85xi1>, vector<512x85xf32>
    %broadcast_in_dim3A_20 = vector.shape_cast %eq3A_6 : vector<512x1xi1> to vector<512x1xi1>
    %broadcast_in_dim3A_21 = vector.broadcast %broadcast_in_dim3A_20 : vector<512x1xi1> to vector<512x85xi1>
    %select_n3A_22 = arith.select %broadcast_in_dim3A_21, %get3A_9, %select_n3A : vector<512x85xi1>, vector<512x85xf32>
    %reduce_sum3A = vector.shape_cast %get3A_1 : vector<512x1xf32> to vector<1x512x1xf32>
    %reduce_sum3A_23 = arith.constant dense<0.000000e+00> : vector<1xf32>
    %reduce_sum3A_24 = vector.multi_reduction <add>, %reduce_sum3A, %reduce_sum3A_23 [1, 2] : vector<1x512x1xf32> to vector<1xf32>
    %reduce_sum3A_25 = vector.shape_cast %reduce_sum3A_24 : vector<1xf32> to vector<1x1x1xf32>
    %reduce_sum3A_26 = vector.extract %reduce_sum3A_25[0, 0, 0] : f32 from vector<1x1x1xf32>
    %get3A_27 = arith.constant 0 : index
    %get3A_28 = arith.constant 0 : index
    %get3A_29 = memref.load %arg10[%get3A_27, %get3A_28] : memref<1x1xf32, #tpu.memory_space<smem>>
    %slice3A = vector.extract_strided_slice %select_n3A_22 {offsets = [0, 4], sizes = [512, 1], strides = [1, 1]} : vector<512x85xf32> to vector<512x1xf32>
    %mul3A = arith.mulf %get3A_1, %slice3A : vector<512x1xf32>
    %reduce_sum3A_30 = vector.shape_cast %mul3A : vector<512x1xf32> to vector<1x512x1xf32>
    %reduce_sum3A_31 = arith.constant dense<0.000000e+00> : vector<1xf32>
    %reduce_sum3A_32 = vector.multi_reduction <add>, %reduce_sum3A_30, %reduce_sum3A_31 [1, 2] : vector<1x512x1xf32> to vector<1xf32>
    %reduce_sum3A_33 = vector.shape_cast %reduce_sum3A_32 : vector<1xf32> to vector<1x1x1xf32>
    %reduce_sum3A_34 = vector.extract %reduce_sum3A_33[0, 0, 0] : f32 from vector<1x1x1xf32>
    %sub3A = arith.subf %get3A_29, %reduce_sum3A_34 : f32
    %mul3A_35 = arith.constant 1.000000e+00 : f32
    %mul3A_36 = arith.mulf %mul3A_35, %sub3A : f32
    %div3A = arith.constant 2.580480e+05 : f32
    %div3A_37 = arith.divf %mul3A_36, %div3A : f32
    %get3A_38 = arith.constant 0 : index
    %get3A_39 = arith.constant 0 : index
    %get3A_40 = vector.load %arg2[%get3A_38, %get3A_39] : memref<512x1xf32, #tpu.memory_space<vmem>>, vector<512x1xf32>
    %div3A_41 = arith.constant 1.000000e+00 : f32
    %div3A_42 = vector.broadcast %div3A_41 : f32 to vector<512x1xf32>
    %div3A_43 = arith.divf %div3A_42, %get3A_40 : vector<512x1xf32>
    %sub3A_44 = arith.constant 1.000000e+00 : f32
    %sub3A_45 = vector.broadcast %sub3A_44 : f32 to vector<512x1xf32>
    %sub3A_46 = arith.subf %div3A_43, %sub3A_45 : vector<512x1xf32>
    %log3A = math.log %sub3A_46 : vector<512x1xf32>
    %neg3A = arith.constant 0.000000e+00 : f32
    %neg3A_47 = vector.broadcast %neg3A : f32 to vector<512x1xf32>
    %neg3A_48 = arith.subf %neg3A_47, %log3A : vector<512x1xf32>
    %get3A_49 = arith.constant 0 : index
    %get3A_50 = arith.constant 0 : index
    %get3A_51 = vector.load %arg3[%get3A_49, %get3A_50] : memref<512x1xf32, #tpu.memory_space<vmem>>, vector<512x1xf32>
    %div3A_52 = arith.constant 1.000000e+00 : f32
    %div3A_53 = vector.broadcast %div3A_52 : f32 to vector<512x1xf32>
    %div3A_54 = arith.divf %div3A_53, %get3A_51 : vector<512x1xf32>
    %sub3A_55 = arith.constant 1.000000e+00 : f32
    %sub3A_56 = vector.broadcast %sub3A_55 : f32 to vector<512x1xf32>
    %sub3A_57 = arith.subf %div3A_54, %sub3A_56 : vector<512x1xf32>
    %log3A_58 = math.log %sub3A_57 : vector<512x1xf32>
    %neg3A_59 = arith.constant 0.000000e+00 : f32
    %neg3A_60 = vector.broadcast %neg3A_59 : f32 to vector<512x1xf32>
    %neg3A_61 = arith.subf %neg3A_60, %log3A_58 : vector<512x1xf32>
    %get3A_62 = arith.constant 0 : index
    %get3A_63 = arith.constant 0 : index
    %get3A_64 = vector.load %arg4[%get3A_62, %get3A_63] : memref<512x1xf32, #tpu.memory_space<vmem>>, vector<512x1xf32>
    %log3A_65 = math.log %get3A_64 : vector<512x1xf32>
    %get3A_66 = arith.constant 0 : index
    %get3A_67 = arith.constant 0 : index
    %get3A_68 = vector.load %arg5[%get3A_66, %get3A_67] : memref<512x1xf32, #tpu.memory_space<vmem>>, vector<512x1xf32>
    %log3A_69 = math.log %get3A_68 : vector<512x1xf32>
    %concatenate3A = tpu.concatenate %neg3A_48, %neg3A_61, %log3A_65, %log3A_69 in 1 : vector<512x1xf32>, vector<512x1xf32>, vector<512x1xf32>, vector<512x1xf32> -> vector<512x4xf32>
    %slice3A_70 = vector.extract_strided_slice %select_n3A_22 {offsets = [0, 0], sizes = [512, 4], strides = [1, 1]} : vector<512x85xf32> to vector<512x4xf32>
    %sub3A_71 = arith.subf %slice3A_70, %concatenate3A : vector<512x4xf32>
    %integer_pow3A = arith.mulf %sub3A_71, %sub3A_71 : vector<512x4xf32>
    %mul3A_72 = vector.broadcast %get3A_1 : vector<512x1xf32> to vector<512x4xf32>
    %mul3A_73 = arith.mulf %mul3A_72, %integer_pow3A : vector<512x4xf32>
    %reduce_sum3A_74 = vector.shape_cast %mul3A_73 : vector<512x4xf32> to vector<1x512x4xf32>
    %reduce_sum3A_75 = arith.constant dense<0.000000e+00> : vector<1xf32>
    %reduce_sum3A_76 = vector.multi_reduction <add>, %reduce_sum3A_74, %reduce_sum3A_75 [1, 2] : vector<1x512x4xf32> to vector<1xf32>
    %reduce_sum3A_77 = vector.shape_cast %reduce_sum3A_76 : vector<1xf32> to vector<1x1x1xf32>
    %reduce_sum3A_78 = vector.extract %reduce_sum3A_77[0, 0, 0] : f32 from vector<1x1x1xf32>
    %mul3A_79 = arith.constant 5.000000e-02 : f32
    %mul3A_80 = arith.mulf %mul3A_79, %reduce_sum3A_78 : f32
    %mul3A_81 = arith.constant 4.000000e+00 : f32
    %mul3A_82 = arith.mulf %reduce_sum3A_26, %mul3A_81 : f32
    %div3A_83 = arith.divf %mul3A_80, %mul3A_82 : f32
    %slice3A_84 = vector.extract_strided_slice %select_n3A_22 {offsets = [0, 5], sizes = [512, 80], strides = [1, 1]} : vector<512x85xf32> to vector<512x80xf32>
    %iota3A = tpu.iota {dimensions = array<i32: 1>} : vector<512x80xi32>
    %get3A_85 = arith.constant 0 : index
    %get3A_86 = arith.constant 0 : index
    %get3A_87 = vector.load %arg6[%get3A_85, %get3A_86] : memref<512x1xi32, #tpu.memory_space<vmem>>, vector<512x1xi32>
    %eq3A_88 = vector.broadcast %get3A_87 : vector<512x1xi32> to vector<512x80xi32>
    %eq3A_89 = arith.cmpi eq, %iota3A, %eq3A_88 : vector<512x80xi32>
    %jit3A = arith.constant 0.000000e+00 : f32
    %broadcast_in_dim3A_90 = vector.broadcast %jit3A : f32 to vector<512x80xf32>
    %select_n3A_91 = arith.select %eq3A_89, %slice3A_84, %broadcast_in_dim3A_90 : vector<512x80xi1>, vector<512x80xf32>
    %reduce_sum3A_92 = arith.constant dense<0.000000e+00> : vector<512xf32>
    %reduce_sum3A_93 = vector.multi_reduction <add>, %select_n3A_91, %reduce_sum3A_92 [1] : vector<512x80xf32> to vector<512xf32>
    %broadcast_in_dim3A_94 = vector.shape_cast %reduce_sum3A_93 : vector<512xf32> to vector<512x1xf32>
    %max3A = arith.constant 0.000000e+00 : f32
    %max3A_95 = vector.broadcast %max3A : f32 to vector<512x80xf32>
    %max3A_96 = arith.maximumf %slice3A_84, %max3A_95 : vector<512x80xf32>
    %abs3A = math.absf %slice3A_84 : vector<512x80xf32>
    %neg3A_97 = arith.constant 0.000000e+00 : f32
    %neg3A_98 = vector.broadcast %neg3A_97 : f32 to vector<512x80xf32>
    %neg3A_99 = arith.subf %neg3A_98, %abs3A : vector<512x80xf32>
    %exp3A = math.exp %neg3A_99 : vector<512x80xf32>
    %log1p3A = math.log1p %exp3A : vector<512x80xf32>
    %add3A = arith.addf %max3A_96, %log1p3A : vector<512x80xf32>
    %reduce_sum3A_100 = arith.constant dense<0.000000e+00> : vector<512xf32>
    %reduce_sum3A_101 = vector.multi_reduction <add>, %add3A, %reduce_sum3A_100 [1] : vector<512x80xf32> to vector<512xf32>
    %broadcast_in_dim3A_102 = vector.shape_cast %reduce_sum3A_101 : vector<512xf32> to vector<512x1xf32>
    %sub3A_103 = arith.subf %broadcast_in_dim3A_102, %broadcast_in_dim3A_94 : vector<512x1xf32>
    %mul3A_104 = arith.mulf %get3A_1, %sub3A_103 : vector<512x1xf32>
    %reduce_sum3A_105 = vector.shape_cast %mul3A_104 : vector<512x1xf32> to vector<1x512x1xf32>
    %reduce_sum3A_106 = arith.constant dense<0.000000e+00> : vector<1xf32>
    %reduce_sum3A_107 = vector.multi_reduction <add>, %reduce_sum3A_105, %reduce_sum3A_106 [1, 2] : vector<1x512x1xf32> to vector<1xf32>
    %reduce_sum3A_108 = vector.shape_cast %reduce_sum3A_107 : vector<1xf32> to vector<1x1x1xf32>
    %reduce_sum3A_109 = vector.extract %reduce_sum3A_108[0, 0, 0] : f32 from vector<1x1x1xf32>
    %mul3A_110 = arith.constant 5.000000e-01 : f32
    %mul3A_111 = arith.mulf %mul3A_110, %reduce_sum3A_109 : f32
    %mul3A_112 = arith.constant 8.000000e+01 : f32
    %mul3A_113 = arith.mulf %reduce_sum3A_26, %mul3A_112 : f32
    %div3A_114 = arith.divf %mul3A_111, %mul3A_113 : f32
    %add3A_115 = arith.addf %div3A_83, %div3A_37 : f32
    %add3A_116 = arith.addf %add3A_115, %div3A_114 : f32
    %swap3A = arith.constant 0 : index
    %swap3A_117 = arith.constant 0 : index
    %swap3A_118 = memref.load %arg11[%swap3A, %swap3A_117] : memref<1x4xf32, #tpu.memory_space<smem>>
    memref.store %add3A_116, %arg11[%swap3A, %swap3A_117] : memref<1x4xf32, #tpu.memory_space<smem>>
    %swap3A_119 = arith.constant 0 : index
    %swap3A_120 = arith.constant 1 : index
    %swap3A_121 = memref.load %arg11[%swap3A_119, %swap3A_120] : memref<1x4xf32, #tpu.memory_space<smem>>
    memref.store %div3A_83, %arg11[%swap3A_119, %swap3A_120] : memref<1x4xf32, #tpu.memory_space<smem>>
    %swap3A_122 = arith.constant 0 : index
    %swap3A_123 = arith.constant 2 : index
    %swap3A_124 = memref.load %arg11[%swap3A_122, %swap3A_123] : memref<1x4xf32, #tpu.memory_space<smem>>
    memref.store %div3A_37, %arg11[%swap3A_122, %swap3A_123] : memref<1x4xf32, #tpu.memory_space<smem>>
    %swap3A_125 = arith.constant 0 : index
    %swap3A_126 = arith.constant 3 : index
    %swap3A_127 = memref.load %arg11[%swap3A_125, %swap3A_126] : memref<1x4xf32, #tpu.memory_space<smem>>
    memref.store %div3A_114, %arg11[%swap3A_125, %swap3A_126] : memref<1x4xf32, #tpu.memory_space<smem>>
    return
  }
}

</mosaic_0001>

<sc_bundles>
// kernel: kernel.5.cloned.1.call-start
scs
__scs_entry_jumppad:
0x0: {  	(pc) =	sbr.rel $0x88, $3  }
0x1: {  	(tag) =	ssettag $0x0;
	lr =	simm.s32 $0x1  }
0x2: {  	[smem:$0x3F9C] =	sst lr;
	_ =	strace $0xD0000000  }
0x3: {  	_ = 	snop  }
0x4: {  	_ = 	snop  }
0x5: {  	_ = 	snop  }
0x6: {  	_ = 	snop  }
0x7: {  	_ = 	snop  }
__scs_overlays_trampoline_lowered:
0x8: {  	[smem:$0x3FAB] =	sst s0  }
0x9: {  	[smem:$0x3FAC] =	sst s1  }
0xa: {  	[smem:$0x3FAD] =	sst s2  }
0xb: {  	[smem:$0x3FAE] =	sst s3  }
0xc: {  	[smem:$0x3FAF] =	sst s4  }
0xd: {  	[smem:$0x3FB0] =	sst s5  }
0xe: {  	[smem:$0x3FB1] =	sst s6  }
0xf: {  	[smem:$0x3FB2] =	sst s7  }
0x10: {  	[smem:$0x3FB3] =	sst s8  }
0x11: {  	[smem:$0x3FB4] =	sst s9;
	s0 =	simm.s32 @!p0 $0x0  }
0x12: {  	s1 =	sld [smem:$0x3F9A];
	s0 =	simm.s32 @p0 $0x1  }
0x13: {  	[smem:$0x3FB5] =	sst s0;
	s0 =	simm.s32 @!p1 $0x0  }
0x14: {  	s2 =	sld [smem:$0x3F99];
	s0 =	simm.s32 @p1 $0x1  }
0x15: {  	[smem:$0x3FB6] =	sst s0;
	s0 =	simm.s32 @!p2 $0x0  }
0x16: {  	s3 =	sld [smem:$0x3FDB];
	s0 =	simm.s32 @p2 $0x1  }
0x17: {  	s4 =	simm.s32 $0x1BF5;
	[smem:$0x3FB8] =	sst s0  }
0x18: {  	s0 =	sld [smem:$0x3F9B];
	_ =	swait.ge [sflag:s4], $0x0  }
0x19: {  	s7 =	sld [smem:$0x3F9C]  }
0x1a: {  	s8 =	sadd.s32 $0xFFFFE003, lr  }
0x1b: {  	s9 =	sadd.s32 $0xFFFFFEF7, lr;
	s5 =	simm.s32 $0xFFFFFFFF;
	p2 =	slt.u32 s8, $0xFFFFF086  }
0x1c: {  	p1 =	slt.u32 s9, $0xF7A;
	s5 =	simm.s32 @!p2 $0x0  }
0x1d: {  	s5 =	simm.s32 @p1 $0x1;
	p0 =	seq.s32 s7, s2  }
0x1e: {  	s7 =	smul.u32 @!p0 $0xF7A, s2;
	p2 =	seq.s32 @!p0 s5, $0x0  }
0x1f: {  	s9 =	smul.u32 $0xF7A, s1;
	s8 =	simm.s32 @!p0 $0x1BF5;
	p2 =	por !p2, p0  }
0x20: {  	[sflag:s8] =	ssyncset.s32 @!p0 $0xFFFFF086;
	s6 =	sadd.s32 @!p0 s3, s7;
	s7 =	simm.s32 @!p0 $0x108  }
0x21: {  	s3 =	sadd.s32 s3, s9;
	s6 =	sadd.s32 @!p0 $0x88, s6;
	s7 =	simm.s32 @p2 $0x1082  }
0x22: {  	[simem:s7], [sflag:s8] =	dma.local @!p0 [hbm:s6], $0xF7A  }
0x23: {  	s9 =	sor.u32 $0xD0000000, s2;
	s6 =	simm.s32 $0x108;
	_ =	swait.ge @!p0 [sflag:s8], $0x0  }
0x24: {  	s3 =	sadd.s32 $0x88, s3;
	s6 =	simm.s32 @!p1 $0x1082;
	[sflag:s4] =	ssyncset.s32 $0xFFFFF086  }
0x25: {  	[simem:s6], [sflag:s4] =	dma.local [hbm:s3], $0xF7A  }
0x26: {  	[smem:$0x3F9C] =	sst s1;
	(tag) =	ssettag s2;
	_ =	strace s9  }
0x27: {  	s1 =	sld [smem:$0x3FAC]  }
0x28: {  	s2 =	sld [smem:$0x3FAD]  }
0x29: {  	s4 =	sld [smem:$0x3FAF]  }
0x2a: {  	p0 =	seq.s32 s5, $0x0;
	s5 =	sld [smem:$0x3FB0]  }
0x2b: {  	s6 =	sld [smem:$0x3FB1]  }
0x2c: {  	s7 =	sld [smem:$0x3FB2]  }
0x2d: {  	s3 =	simm.s32 $0x108;
	s8 =	sld [smem:$0x3FB3]  }
0x2e: {  	s3 =	simm.s32 @!p0 $0x1082;
	s9 =	sld [smem:$0x3FB4]  }
0x2f: {  	lr =	sadd.s32 s0, s3;
	s0 =	sld [smem:$0x3FAB]  }
0x30: {  	s3 =	sld [smem:$0x3FAE]  }
0x31: {  	[smem:$0x3FB7] =	sst s10  }
0x32: {  	s10 =	sld [smem:$0x3FB5];
	_ =	sdelay $0x3  }
0x33: {  	p0 =	seq.s32 s10, $0x1;
	s10 =	sld [smem:$0x3FB7];
	_ =	sdelay $0x3  }
0x34: {  	[smem:$0x3FB7] =	sst s10  }
0x35: {  	s10 =	sld [smem:$0x3FB6];
	_ =	sdelay $0x3  }
0x36: {  	p1 =	seq.s32 s10, $0x1;
	s10 =	sld [smem:$0x3FB7];
	_ =	sdelay $0x3  }
0x37: {  	[smem:$0x3FB7] =	sst s10  }
0x38: {  	s10 =	sld [smem:$0x3FB8]  }
0x39: {  	_ = 	snop;
	(pc) =	sbr.ind lr, $3  }
0x3a: {  	_ = 	snop  }
0x3b: {  	_ = 	snop  }
0x3c: {  	p2 =	seq.s32 s10, $0x1;
	s10 =	sld [smem:$0x3FB7]  }
0x3d: {  	_ =	shalt  }
0x3e: {  	_ =	shalt  }
0x3f: {  	_ =	shalt  }
0x40: {  	_ =	shalt  }
0x41: {  	_ =	shalt  }
0x42: {  	_ =	shalt  }
0x43: {  	_ =	shalt  }
0x44: {  	_ =	shalt  }
0x45: {  	_ =	shalt  }
0x46: {  	_ =	shalt  }
0x47: {  	_ =	shalt  }
0x48: {  	_ =	shalt  }
0x49: {  	_ =	shalt  }
0x4a: {  	_ =	shalt  }
0x4b: {  	_ =	shalt  }
0x4c: {  	_ =	shalt  }
0x4d: {  	_ =	shalt  }
0x4e: {  	_ =	shalt  }
0x4f: {  	_ =	shalt  }
0x50: {  	_ =	shalt  }
0x51: {  	_ =	shalt  }
0x52: {  	_ =	shalt  }
0x53: {  	_ =	shalt  }
0x54: {  	_ =	shalt  }
0x55: {  	_ =	shalt  }
0x56: {  	_ =	shalt  }
0x57: {  	_ =	shalt  }
0x58: {  	_ =	shalt  }
0x59: {  	_ =	shalt  }
0x5a: {  	_ =	shalt  }
0x5b: {  	_ =	shalt  }
0x5c: {  	_ =	shalt  }
0x5d: {  	_ =	shalt  }
0x5e: {  	_ =	shalt  }
0x5f: {  	_ =	shalt  }
0x60: {  	_ =	shalt  }
0x61: {  	_ =	shalt  }
0x62: {  	_ =	shalt  }
0x63: {  	_ =	shalt  }
0x64: {  	_ =	shalt  }
0x65: {  	_ =	shalt  }
0x66: {  	_ =	shalt  }
0x67: {  	_ =	shalt  }
0x68: {  	_ =	shalt  }
0x69: {  	_ =	shalt  }
0x6a: {  	_ =	shalt  }
0x6b: {  	_ =	shalt  }
0x6c: {  	_ =	shalt  }
0x6d: {  	_ =	shalt  }
0x6e: {  	_ =	shalt  }
0x6f: {  	_ =	shalt  }
0x70: {  	_ =	shalt  }
0x71: {  	_ =	shalt  }
0x72: {  	_ =	shalt  }
0x73: {  	_ =	shalt  }
0x74: {  	_ =	shalt  }
0x75: {  	_ =	shalt  }
0x76: {  	_ =	shalt  }
0x77: {  	_ =	shalt  }
0x78: {  	_ =	shalt  }
0x79: {  	_ =	shalt  }
0x7a: {  	_ =	shalt  }
0x7b: {  	_ =	shalt  }
0x7c: {  	_ =	shalt  }
0x7d: {  	_ =	shalt  }
0x7e: {  	_ =	shalt  }
0x7f: {  	_ =	shalt  }
0x80: {  	_ =	shalt  }
0x81: {  	_ =	shalt  }
0x82: {  	_ =	shalt  }
0x83: {  	_ =	shalt  }
0x84: {  	_ =	shalt  }
0x85: {  	_ =	shalt  }
0x86: {  	_ =	shalt  }
0x87: {  	_ =	shalt  }
.Lfunc_end0:
.L_simem_size_0:
called_computation_lowered:
.L_overlay_start_0:
0x88: {  	s2 =	sld [smem:$0x3FD9]  }
0x89: {  	s3 =	sld [smem:$0x3FFE];
	_ =	sdelay $0x1  }
0x8a: {  	s1 =	srdreg.scid  }
0x8b: {  	s0 =	sand.u32 $0x1, s1  }
0x8c: {  	s16 =	sshll.u32 s0, $0xA;
	s2 =	sadd.s32 s3, s2  }
0x8d: {  	s2 =	sadd.s32 s2, s16  }
0x8e: {  	[smem:$0x3FC3] =	sst s2  }
0x8f: {  	_ = 	snop  }
0x90: {  	(tm) =	ssettm $0x1  }
0x91: {  	s17 =	sld [smem:$0x3FFB];
	_ =	sdelay $0x3  }
0x92: {  	_ =	strace s17  }
0x93: {  	s2 =	sld [smem:$0x3FFC];
	_ =	sdelay $0x3  }
0x94: {  	_ =	strace s2  }
0x95: {  	s2 =	sld [smem:$0x3FFD];
	_ =	sdelay $0x3  }
0x96: {  	_ =	strace s2  }
0x97: {  	_ =	strace $0x8FFFFFFF  }
0x98: {  	s18 =	sld [smem:$0x3FDB];
	_ =	sdelay $0x1  }
0x99: {  	s19 =	simm.s32 $_scs_section_size  }
0x9a: {  	s4 =	simm.s32 $_size__tile_overlayer_lowered;
	s5 =	simm.s32 $_tile_overlayer_lowered  }
0x9b: {  	s22 =	simm.s32 $0x1BFF;
	s21 =	sshll.u32 s5, $0x1;
	s2 =	sadd.s32 s19, s18  }
0x9c: {  	s6 =	simm.s32 $0x0;
	s20 =	sshll.u32 s4, $0x1;
	s4 =	sadd.s32 s21, s2  }
0x9d: {  	[timem:s6], [sflag:s22] =	dma.local [hbm:s4], s20  }
0x9e: {  	_ =	swait.ge [sflag:s22], s20  }
0x9f: {  	s3 =	ssub.s32 $0x0, s20;
	[sflag:s22] =	ssyncset.done $0x0  }
0xa0: {  	[sflag:s22] =	ssyncadd.s32 s3;
	_ =	sdelay $0x1  }
0xa1: {  	s23 =	simm.s32 $0x1B8B  }
0xa2: {  	_ =	swait.ge [sflag:s23], $0x1  }
0xa3: {  	[sflag:s23] =	ssyncset.done $0x0  }
0xa4: {  	s25 =	simm.s32 $0x1B8E;
	s24 =	sld [smem:$0x3FFE];
	[sflag:s23] =	ssyncadd.s32 $0xFFFFFFFF  }
0xa5: {  	s26 =	simm.s32 $execute0_lowered;
	[smem:$0x3FD2] =	sst s25  }
0xa6: {  	s4 =	sshll.u32 s26, $0x1;
	_ =	strace $0x80000046;
	[dreg:$0x1] =	wrdreg $0xFFFFFFFF  }
0xa7: {  	s28 =	simm.s32 $_size_execute0_lowered;
	s2 =	sadd.s32 s2, s4;
	[dreg:$0x0] =	wrdreg $0x0  }
0xa8: {  	s4 =	sshll.u32 s28, $0x1;
	[dreg:$0x2] =	wrdreg s2  }
0xa9: {  	[dreg:$0x3] =	wrdreg s4  }
0xaa: {  	[dreg:$0x4] =	wrdreg $0xC0  }
0xab: {  	_ =	task [dreg:s6], $0x5FFFF  }
0xac: {  	[dreg:$0x1] =	wrdreg $0xFFFFFFFF  }
0xad: {  	[dreg:$0x0] =	wrdreg $0x60  }
0xae: {  	[dreg:$0x2] =	wrdreg s24  }
0xaf: {  	[dreg:$0x3] =	wrdreg $0x9  }
0xb0: {  	_ =	task.clear_ibuf [dreg:s6], $0x4FFFF;
	_ =	strace $0x90000046  }
0xb1: {  	s29 =	simm.s32 $0x9;
	_ =	strace $0x80000048  }
0xb2: {  	_ =	swait.ge [sflag:s29], $0x1  }
0xb3: {  	[sflag:s29] =	ssyncadd.s32 $0xFFFFFFFF  }
0xb4: {  	_ =	strace $0x90000048  }
0xb5: {  	_ =	sfence  }
0xb6: {  	s30 =	sld [smem:$0x0];
	_ =	sdelay $0x2  }
0xb7: {  	s31 =	sshll.u32 s1, $0xD;
	s1 =	sshrl.u32 s1, $0x2  }
0xb8: {  	s3 =	sand.u32 $0x4000, s31;
	s1 =	sadd.s32 s1, s30  }
0xb9: {  	s0 =	sor.u32 s3, s0;
	s1 =	sshll.u32 s1, $0x11  }
0xba: {  	s0 =	sor.u32 s1, s0  }
0xbb: {  	s0 =	sadd.s32 $0x8F2B, s0  }
0xbc: {  	[sflag:s0] =	ssyncadd.remote.s32 $0x1  }
0xbd: {  	_ =	sfence.sel $0xFFFF  }
0xbe: {  	[dreg:$0x0] =	wrdreg $0xFFFFFFFF;
	(pc) =	sbr.abs _section_cstart, $3  }
0xbf: {  	[dreg:$0x1] =	wrdreg $0xFFFFFFFF  }
0xc0: {  	_ =	task.clear_ibuf [dreg:s6], $0x2FFFF;
	_ =	strace $0x9FFFFFFF  }
0xc1: {  	(tm) =	ssettm $0x7FFFFFFF  }
tec
execute0_lowered:
.L_overlay_start_1:
0x0: {  	(tag) =	ssettag $0x1  }
0x1: {  	s1 =	stileid.u32  }
0x2: {  	p0 =	sgt.u32 s1, $0x7  }
.Ltmp0:
0x3: {  	_ = 	snop;
	(pc) =	sbr.rel @p0 .LBB2_3-.Ltmp0, $4  }
0x4: {  	_ = 	snop  }
0x5: {  	s3 =	rddreg [dreg:$0x0];
	s2 =	simm.s32 $0x0  }
0x6: {  	[smem:$0x7FF] =	sst s2  }
0x7: {  	s0 =	rddreg [dreg:$0x1];
	_ =	strace $0x80000047  }
0x8: {  	s4 =	srdreg.scid;
	s31 =	sshll.u32 s1, $0x1  }
0x9: {  	s16 =	sadd.s32 $0x33200, s3;
	s20 =	simm.s32 $0x180;
	s21 =	simm.s32 $0x300  }
0xa: {  	s22 =	simm.s32 $0x380;
	s23 =	simm.s32 $0x400;
	s24 =	simm.s32 $0x480  }
0xb: {  	s25 =	simm.s32 $0x500;
	s26 =	simm.s32 $0x580;
	s11 =	sand.u32 $0x1, s4  }
0xc: {  	s28 =	simm.s32 $0x600;
	s29 =	simm.s32 $0x680;
	s15 =	sor.u32 s11, s31  }
0xd: {  	s30 =	simm.s32 $0x700;
	s18 =	ssub.s32 $0x2, s11;
	s17 =	sshll.u32 s15, $0x4  }
0xe: {  	v0 =	vlaneseq.u32;
	s19 =	sshrl.u32 s18, $0x1;
	s14 =	sadd.s32 s17, s3;
	s5 =	sadd.s32 s17, s16  }
0xf: {  	v11 =	vmul.u32 $0xFFFFFFFF, v0;
	v0 =	vmov s15;
	s18 =	ssub.s32 s18, s19;
	s15 =	sadd.s32 s16, s17;
	s17 =	simm.s32 $0x1  }
0x10: {  	v3 =	vimm.f32 $1.999999960e-02;
	v5 =	vimm.f32 $2.999999930e-02;
	s19 =	simm.s32 $0x100;
	s3 =	sadd.s32 $0x100, s5;
	s4 =	sadd.s32 $0x200, s5  }
0x11: {  	v4 =	vimm.s32 $0x0;
	v6 =	vimm.s32 $0x4;
	v7 =	vimm.s32 $0x10;
	s5 =	sadd.s32 $0x300, s5;
	s6 =	sadd.s32 $0x33C00, s14;
	s7 =	sadd.s32 $0x33E00, s14  }
0x12: {  	v8 =	vimm.f32 $0.0e+00;
	vm0 =	vmmov $0xf;
	v12 =	vimm.s32 $0x0;
	s8 =	sadd.s32 $0x34000, s14;
	s9 =	sadd.s32 $0x34200, s14;
	s10 =	sadd.s32 $0x34400, s14  }
0x13: {  	v9 =	vimm.s32 $0x3C00;
	v12 =	vsel vm0, $0xFFFFFFFF, v12;
	v1 =	vadd.s32 $0xFFFFFC18, v11;
	s11 =	sadd.s32 $0x34600, s14;
	s12 =	sadd.s32 $0x33A00, s14;
	s13 =	sadd.s32 $0x33800, s14  }
0x14: {  	[tilespmem:$0x1FFF0] =	vst v12;
	v2 =	vadd.s32 $0xFFFFF830, v11;
	v10 =	vadd.s32 $0xFFFFFFFF, v11;
	v11 =	vadd.s32 $0xFFFFFFEF, v11;
	s14 =	sadd.s32 $0x33600, s14;
	s16 =	smax.u32 s18, $0x1;
	s18 =	simm.s32 $0x80  }
.LBB2_2:
0x15: {  	[tilespmem:s2], [sflag:$0x1] =	stream.linear.gather [hbm4b:s15+s2], $0x80, $0x38;
	[tilespmem:$0x780] =	vst v63  }
0x16: {  	_ =	swait.ge [sflag:s17], $0x80  }
0x17: {  	[sflag:s17] =	ssyncset.done $0x0  }
0x18: {  	[sflag:s17] =	ssyncadd.s32 $0xFFFFFF80  }
0x19: {  	[tilespmem:s18], [sflag:$0x1] =	stream.linear.gather [hbm4b:s3+s2], $0x80, $0x38;
	[tilespmem:$0x780] =	vst v63  }
0x1a: {  	_ =	swait.ge [sflag:s17], $0x80  }
0x1b: {  	[sflag:s17] =	ssyncset.done $0x0  }
0x1c: {  	[sflag:s17] =	ssyncadd.s32 $0xFFFFFF80  }
0x1d: {  	[tilespmem:s19], [sflag:$0x1] =	stream.linear.gather [hbm4b:s4+s2], $0x80, $0x38;
	[tilespmem:$0x780] =	vst v63  }
0x1e: {  	_ =	swait.ge [sflag:s17], $0x80  }
0x1f: {  	[sflag:s17] =	ssyncset.done $0x0  }
0x20: {  	[sflag:s17] =	ssyncadd.s32 $0xFFFFFF80  }
0x21: {  	[tilespmem:s20], [sflag:$0x1] =	stream.linear.gather [hbm4b:s5+s2], $0x80, $0x38;
	[tilespmem:$0x780] =	vst v63  }
0x22: {  	_ =	swait.ge [sflag:s17], $0x80  }
0x23: {  	[sflag:s17] =	ssyncset.done $0x0  }
0x24: {  	[sflag:s17] =	ssyncadd.s32 $0xFFFFFF80  }
0x25: {  	v13 =	vld [tilespmem:$0x100]  }
0x26: {  	v12 =	vld [tilespmem:$0x180];
	_ =	sdelay $0x3  }
0x27: {  	v14 =	vadd.f32 $-1.999999960e-02, v13  }
0x28: {  	v15 =	vadd.f32 $-2.999999930e-02, v12;
	v16 =	vadd.f32 $-3.999999910e-02, v13  }
0x29: {  	v17 =	vadd.f32 $-7.000000030e-02, v12;
	v18 =	vadd.f32 $-7.999999820e-02, v13  }
0x2a: {  	v19 =	vadd.f32 $-5.999999870e-02, v12;
	v25 =	vadd.f32 $-7.000000030e-02, v13  }
0x2b: {  	v26 =	vadd.f32 $-1.500000060e-01, v12;
	v27 =	vadd.f32 $-1.500000060e-01, v13  }
0x2c: {  	v28 =	vadd.f32 $-1.099999990e-01, v12;
	v31 =	vadd.f32 $-1.400000010e-01, v13  }
0x2d: {  	v32 =	vadd.f32 $-2.899999920e-01, v12;
	v36 =	vadd.f32 $-2.800000010e-01, v13  }
0x2e: {  	v49 =	vimm.s32 $0x0;
	v37 =	vadd.f32 $-2.199999990e-01, v12;
	v38 =	vadd.f32 $-3.799999950e-01, v13  }
0x2f: {  	v51 =	vimm.s32 $0x0;
	v39 =	vadd.f32 $-4.799999890e-01, v12;
	v43 =	vadd.f32 $-8.999999760e-01, v13  }
0x30: {  	v44 =	vadd.f32 $-7.799999710e-01, v12;
	v55 =	vmul.f32 $5.000000000e-01, v12;
	v14 =	vand.u32 $0x7FFFFFFF, v14  }
0x31: {  	v15 =	vand.u32 $0x7FFFFFFF, v15;
	v16 =	vand.u32 $0x7FFFFFFF, v16;
	v17 =	vand.u32 $0x7FFFFFFF, v17  }
0x32: {  	v21 =	vmul.f32 $5.000000000e-01, v13;
	v14 =	vadd.f32 v15, v14;
	v22 =	vadd.f32 v17, v16  }
0x33: {  	v23 =	vand.u32 $0x7FFFFFFF, v18;
	v24 =	vand.u32 $0x7FFFFFFF, v19;
	v29 =	vand.u32 $0x7FFFFFFF, v27  }
0x34: {  	v30 =	vand.u32 $0x7FFFFFFF, v28;
	v16 =	vadd.f32 v24, v23;
	vm13 =	vlt.f32 v22, v14  }
0x35: {  	v54 =	vld [tilespmem:$0x0];
	v15 =	vand.u32 $0x7FFFFFFF, v25;
	v17 =	vand.u32 $0x7FFFFFFF, v26;
	v14 =	vsel vm13, v22, v14  }
0x36: {  	v33 =	vand.u32 $0x7FFFFFFF, v31;
	v15 =	vadd.f32 v17, v15;
	vm12 =	vlt.f32 v16, v14  }
0x37: {  	v34 =	vand.u32 $0x7FFFFFFF, v32;
	v41 =	vand.u32 $0x7FFFFFFF, v38;
	v14 =	vsel vm12, v16, v14  }
0x38: {  	v50 =	vld [tilespmem:$0x80];
	v42 =	vand.u32 $0x7FFFFFFF, v39;
	v16 =	vadd.f32 v30, v29;
	vm8 =	vlt.f32 v15, v14  }
0x39: {  	v45 =	vand.u32 $0x7FFFFFFF, v43;
	v46 =	vand.u32 $0x7FFFFFFF, v44;
	v14 =	vsel vm8, v15, v14  }
0x3a: {  	v21 =	vadd.f32 v21, v54;
	v15 =	vadd.f32 v34, v33;
	vm6 =	vlt.f32 v16, v14  }
0x3b: {  	v17 =	vand.u32 $0x7FFFFFFF, v37;
	v14 =	vsel vm6, v16, v14;
	v16 =	vand.u32 $0x7FFFFFFF, v36  }
0x3c: {  	vm1 =	vge.f32 v21, $0.0e+00;
	vm5 =	vlt.f32 v15, v14;
	v40 =	vadd.f32 v17, v16  }
0x3d: {  	v20 =	vsel vm13, $0x1, v4;
	v22 =	vadd.f32 v55, v50;
	v14 =	vsel vm5, v15, v14  }
0x3e: {  	v35 =	vsel vm12, $0x2, v20;
	v16 =	vadd.f32 v42, v41;
	vm4 =	vlt.f32 v40, v14  }
0x3f: {  	v50 =	vimm.s32 $0x0;
	v18 =	vsel vm8, $0x3, v35;
	v14 =	vsel vm4, v40, v14  }
0x40: {  	v18 =	vsel vm6, $0x4, v18;
	v15 =	vadd.f32 v46, v45;
	vm14 =	vlt.f32 v16, v14  }
0x41: {  	v55 =	vimm.s32 $0x0;
	v18 =	vsel vm5, $0x5, v18;
	v14 =	vsel vm14, v16, v14  }
0x42: {  	vm9 =	vge.f32 v22, $0.0e+00;
	v47 =	vsel vm4, $0x6, v18;
	vm0 =	vlt.f32 v15, v14;
	v15 =	vld [tilespmem:$0x190]  }
0x43: {  	vm11 =	vmand vm1, vm9;
	v34 =	vimm.s32 $0x0;
	v48 =	vsel vm14, $0x7, v47  }
0x44: {  	v41 =	vimm.s32 $0x0;
	v45 =	vimm.s32 $0x0;
	v20 =	vsel vm0, $0x8, v48  }
0x45: {  	v14 =	vsel vm0, $0xFFFFFFFF, v49;
	vm7 =	vgt.u32 v20, $0x2;
	vm0 =	vgt.u32 v20, $0x5  }
0x46: {  	[tilespmem:$0x1FF50] =	vst v14;
	v14 =	vsel vm0, $0xFFFFFFFF, v51;
	v52 =	vsel vm7, $0x1, v4;
	v53 =	vsel vm0, $0x1, v4  }
0x47: {  	vm2 =	vmxor vm7, vm0;
	v16 =	vadd.s32 v53, v52;
	v24 =	vadd.f32 $-2.999999930e-02, v15  }
0x48: {  	v56 =	vsel vm2, $0x20, v7;
	v25 =	vadd.f32 $-7.000000030e-02, v15;
	v27 =	vadd.f32 $-5.999999870e-02, v15  }
0x49: {  	[tilespmem:$0x1FFD0] =	vst v14;
	v14 =	vld [tilespmem:$0x110];
	v53 =	vimm.s32 $0x0;
	v63 =	vadd.f32 $-1.500000060e-01, v15;
	v33 =	vadd.f32 $-1.099999990e-01, v15  }
0x4a: {  	vm3 =	veq.s32 v16, $0x0;
	v28 =	vadd.f32 $-2.899999920e-01, v15;
	v40 =	vadd.f32 $-2.199999990e-01, v15  }
0x4b: {  	v44 =	vadd.f32 $-4.799999890e-01, v15;
	v49 =	vadd.f32 $-7.799999710e-01, v15;
	v19 =	vsel vm3, $0x40, v56  }
0x4c: {  	v57 =	vcvt.s32.f32 v19;
	v24 =	vand.u32 $0x7FFFFFFF, v24;
	v25 =	vand.u32 $0x7FFFFFFF, v25  }
0x4d: {  	v61 =	vand.u32 $0x7FFFFFFF, v27;
	v30 =	vand.u32 $0x7FFFFFFF, v63;
	v38 =	vand.u32 $0x7FFFFFFF, v28  }
0x4e: {  	v47 =	vand.u32 $0x7FFFFFFF, v44;
	v52 =	vand.u32 $0x7FFFFFFF, v49;
	v58 =	vadd.f32 $-1.999999960e-02, v14  }
0x4f: {  	v63 =	vmul.u32 $0xFFFFFFFD, v16;
	v59 =	vadd.f32 $-3.999999910e-02, v14;
	v26 =	vadd.f32 $-7.999999820e-02, v14  }
0x50: {  	v17 =	vmul.f32 v57, v22;
	v62 =	vadd.f32 $-7.000000030e-02, v14;
	v31 =	vadd.f32 $-1.500000060e-01, v14  }
0x51: {  	v18 =	vmul.f32 v57, v21;
	v35 =	vadd.f32 $-1.400000010e-01, v14;
	v39 =	vadd.f32 $-2.800000010e-01, v14  }
0x52: {  	v43 =	vadd.f32 $-3.799999950e-01, v14;
	v48 =	vadd.f32 $-8.999999760e-01, v14;
	v57 =	vimm.s32 $0x0  }
0x53: {  	v28 =	vadd.s32 v20, v63;
	v23 =	vtrunc.f32 v17;
	v21 =	vand.u32 $0x7FFFFFFF, v58  }
0x54: {  	v22 =	vand.u32 $0x7FFFFFFF, v59;
	v60 =	vand.u32 $0x7FFFFFFF, v26;
	v29 =	vand.u32 $0x7FFFFFFF, v62  }
0x55: {  	v37 =	vand.u32 $0x7FFFFFFF, v35;
	v21 =	vadd.f32 v24, v21;
	v22 =	vadd.f32 v25, v22  }
0x56: {  	v42 =	vand.u32 $0x7FFFFFFF, v39;
	v46 =	vand.u32 $0x7FFFFFFF, v43;
	v51 =	vand.u32 $0x7FFFFFFF, v48  }
0x57: {  	v54 =	vtrunc.f32 v18;
	v24 =	vadd.f32 v61, v60;
	vm7 =	vlt.f32 v22, v21  }
0x58: {  	v39 =	vsel vm2, $0x3000, v9;
	v25 =	vand.u32 $0x7FFFFFFF, v31;
	v21 =	vsel vm7, v22, v21  }
0x59: {  	v23 =	vcvt.f32.s32 v23;
	v22 =	vadd.f32 v30, v29;
	vm15 =	vlt.f32 v24, v21  }
0x5a: {  	v61 =	vmul.f32 $5.000000000e-01, v15;
	v21 =	vsel vm15, v24, v21;
	v24 =	vand.u32 $0x7FFFFFFF, v33  }
0x5b: {  	v32 =	vsel vm7, $0x1, v4;
	vm10 =	vlt.f32 v22, v21;
	v24 =	vadd.f32 v24, v25  }
0x5c: {  	v31 =	vmul.f32 $5.000000000e-01, v14;
	v26 =	vsel vm15, $0x2, v32;
	v21 =	vsel vm10, v22, v21  }
0x5d: {  	v25 =	vadd.f32 v38, v37;
	v36 =	vsel vm10, $0x3, v26;
	vm1 =	vlt.f32 v24, v21  }
0x5e: {  	v26 =	vand.u32 $0x7FFFFFFF, v40;
	v21 =	vsel vm1, v24, v21;
	v24 =	vsel vm1, $0xFFFFFFFF, v41  }
0x5f: {  	v20 =	vsel vm3, $0x0, v39;
	[tilespmem:$0x1FF70] =	vst v24;
	vm9 =	vlt.f32 v25, v21;
	v24 =	vadd.f32 v26, v42  }
0x60: {  	v20 =	vadd.s32 v20, v28;
	v21 =	vsel vm9, v25, v21;
	v25 =	vsel vm9, $0xFFFFFFFF, v45  }
0x61: {  	v27 =	vsel vm10, $0xFFFFFFFF, v34;
	[tilespmem:$0x1FF80] =	vst v25;
	v25 =	vadd.f32 v47, v46;
	vm10 =	vlt.f32 v24, v21  }
0x62: {  	v22 =	vsel vm1, $0x4, v36;
	vm1 =	vgt.s32 v19, v23;
	v21 =	vsel vm10, v24, v21  }
0x63: {  	v22 =	vsel vm9, $0x5, v22;
	v24 =	vadd.f32 v52, v51;
	vm9 =	vlt.f32 v25, v21  }
0x64: {  	v26 =	vsel vm10, $0xFFFFFFFF, v50;
	v22 =	vsel vm10, $0x6, v22;
	v21 =	vsel vm9, v25, v21  }
0x65: {  	v58 =	vld [tilespmem:$0x10];
	[tilespmem:$0x1FF90] =	vst v26;
	v26 =	vsel vm9, $0xFFFFFFFF, v53;
	v22 =	vsel vm9, $0x7, v22;
	vm10 =	vlt.f32 v24, v21  }
0x66: {  	v56 =	vld [tilespmem:$0x90];
	vm9 =	vmand vm11, vm1;
	[tilespmem:$0x1FFA0] =	vst v26;
	v26 =	vcvt.f32.s32 v54;
	v30 =	vsel vm10, $0x8, v22  }
0x67: {  	v21 =	vsel vm10, $0xFFFFFFFF, v55;
	vm11 =	vgt.u32 v30, $0x2;
	vm0 =	vgt.u32 v30, $0x5  }
0x68: {  	vm10 =	vgt.s32 v19, v26;
	v59 =	vsel vm11, $0x1, v4;
	v60 =	vsel vm0, $0x1, v4  }
0x69: {  	vm1 =	vmand vm10, vm9;
	vm9 =	vmxor vm11, vm0;
	v19 =	vadd.s32 v60, v59  }
0x6a: {  	v31 =	vadd.f32 v31, v58;
	v62 =	vsel vm9, $0x20, v7;
	vm11 =	veq.s32 v19, $0x0  }
0x6b: {  	v33 =	vadd.f32 v61, v56;
	v37 =	vsel vm2, $0x5, v6;
	v32 =	vsel vm11, $0x40, v62  }
0x6c: {  	v29 =	vsel vm3, $0x6, v37;
	v36 =	vimm.s32 $0x0;
	v38 =	vcvt.s32.f32 v32  }
0x6d: {  	v40 =	vshll.u32 v23, v29;
	v25 =	vsel vm2, $0xFFFFFFFF, v36;
	v22 =	vsel vm0, $0xFFFFFFFF, v57  }
0x6e: {  	vm2 =	vmmov vm3;
	[tilespmem:$0x1FFE0] =	vst v22;
	v22 =	vadd.s32 v26, v40;
	v24 =	vmul.f32 v38, v33  }
0x6f: {  	[tilespmem:$0x1FF60] =	vst v27;
	vm3 =	vmmov vm9;
	v43 =	vsel vm9, $0x5, v6;
	v27 =	vmul.f32 v38, v31  }
0x70: {  	vm9 =	vge.f32 v31, $0.0e+00;
	v41 =	vmul.u32 $0x3, v22;
	v42 =	vtrunc.f32 v24  }
0x71: {  	[tilespmem:$0x1FFC0] =	vst v25;
	v44 =	vmul.u32 $0xFFFFFFFD, v19;
	v34 =	vtrunc.f32 v27;
	v25 =	vcvt.f32.s32 v42  }
0x72: {  	[tilespmem:$0x1FFB0] =	vst v21;
	v22 =	vsel vm11, $0x6, v43;
	v20 =	vadd.s32 v41, v20;
	v21 =	vcvt.f32.s32 v34  }
0x73: {  	v37 =	vsel vm3, $0x3000, v9;
	vm0 =	vgt.s32 v20, $0x0;
	v35 =	vshll.u32 v25, v22  }
0x74: {  	v49 =	vld [tilespmem:$0x1FFF0];
	v45 =	vsel vm11, $0x0, v37;
	v36 =	vnsel vm0, $0x0, v20;
	v35 =	vadd.s32 v21, v35  }
0x75: {  	v20 =	vadd.s32 v30, v44;
	vm0 =	vge.f32 v33, $0.0e+00;
	v46 =	vmul.u32 $0x3, v35  }
0x76: {  	v30 =	vadd.s32 v45, v20;
	vm9 =	vmand vm9, vm0  }
0x77: {  	v48 =	vmin.u32 v36, $0x3EFF;
	vm0 =	vgt.s32 v32, v25;
	v30 =	vadd.s32 v46, v30  }
0x78: {  	vm10 =	vgt.s32 v32, v21;
	vm9 =	vmand vm9, vm0;
	vm0 =	vgt.s32 v30, $0x0  }
0x79: {  	vm9 =	vmand vm10, vm9;
	v47 =	vnsel vm0, $0x0, v30;
	vm0 =	vnez.u8 v49  }
0x7a: {  	v30 =	vsel vm1, v48, v10;
	vm9 =	vmand vm9, vm0;
	v31 =	vmin.u32 v47, $0x3EFF  }
0x7b: {  	[tilespmem:$0x200] =	vst v30;
	v31 =	vsel vm9, v31, v11  }
0x7c: {  	[tilespmem:$0x210] =	vst v31  }
0x7d: {  	v50 =	vld [tilespmem:$0x201]  }
0x7e: {  	v53 =	vld [tilespmem:$0x202]  }
0x7f: {  	v54 =	vld [tilespmem:$0x203]  }
0x80: {  	v51 =	vsel vm13, $0x3D23D70A, v3;
	v39 =	vld [tilespmem:$0x204]  }
0x81: {  	v52 =	vsel vm13, $0x3D8F5C29, v5;
	v32 =	vsel vm12, $0x3DA3D70A, v51;
	v59 =	vld [tilespmem:$0x206]  }
0x82: {  	v34 =	vsel vm12, $0x3D75C28F, v52;
	v32 =	vsel vm8, $0x3D8F5C29, v32;
	v63 =	vld [tilespmem:$0x207]  }
0x83: {  	v34 =	vsel vm8, $0x3E19999A, v34;
	v32 =	vsel vm6, $0x3E19999A, v32;
	v40 =	vld [tilespmem:$0x208]  }
0x84: {  	v34 =	vsel vm6, $0x3DE147AE, v34;
	v32 =	vsel vm5, $0x3E0F5C29, v32  }
0x85: {  	v34 =	vsel vm5, $0x3E947AE1, v34;
	vm10 =	vmmov vm1;
	v32 =	vsel vm4, $0x3E8F5C29, v32  }
0x86: {  	v33 =	vsel vm4, $0x3E6147AE, v34;
	v32 =	vsel vm14, $0x3EC28F5C, v32;
	v55 =	vsub.s32 v30, v50  }
0x87: {  	v58 =	vld [tilespmem:$0x205];
	v35 =	vsub.s32 v30, v53;
	v36 =	vsub.s32 v30, v54;
	v39 =	vsub.s32 v30, v39  }
0x88: {  	v51 =	vld [tilespmem:$0x20A];
	v37 =	vsub.s32 v30, v59;
	v46 =	vsub.s32 v30, v63;
	v49 =	vsub.s32 v30, v40  }
0x89: {  	v56 =	vsub.s32 $0x0, v55;
	v38 =	vsub.s32 $0x0, v35;
	v57 =	vsub.s32 $0x0, v36  }
0x8a: {  	v61 =	vsub.s32 $0x0, v39;
	v44 =	vsub.s32 $0x0, v37;
	v48 =	vsub.s32 $0x0, v46  }
0x8b: {  	v50 =	vsub.s32 $0x0, v49;
	v34 =	vmin.u32 v55, v56;
	v35 =	vmin.u32 v35, v38  }
0x8c: {  	v36 =	vmin.u32 v36, v57;
	v38 =	vsub.s32 v30, v58;
	v37 =	vmin.u32 v37, v44  }
0x8d: {  	v53 =	vld [tilespmem:$0x20B];
	v55 =	vsub.s32 v30, v51;
	vm4 =	vlt.s32 v34, $0x1;
	vm5 =	vlt.s32 v35, $0x1  }
0x8e: {  	vm6 =	vlt.s32 v36, $0x1;
	v62 =	vsub.s32 $0x0, v38;
	v57 =	vsub.s32 $0x0, v55  }
0x8f: {  	v34 =	vnsel vm4, $0x1, v34;
	v35 =	vnsel vm5, $0x1, v35;
	v36 =	vnsel vm6, $0x1, v36  }
0x90: {  	vm5 =	vlt.s32 v37, $0x1;
	v34 =	vsub.s32 $0x1, v34;
	v35 =	vsub.s32 $0x1, v35  }
0x91: {  	v60 =	vsub.s32 $0x1, v36;
	v36 =	vmin.u32 v39, v61;
	v37 =	vnsel vm5, $0x1, v37  }
0x92: {  	v58 =	vsub.s32 v30, v53;
	vm8 =	vgt.s32 v34, v35;
	vm12 =	vlt.s32 v36, $0x1  }
0x93: {  	v45 =	vld [tilespmem:$0x209];
	v47 =	vsub.s32 $0x1, v37;
	v37 =	vmin.u32 v46, v48;
	v59 =	vsub.s32 $0x0, v58  }
0x94: {  	v34 =	vsel vm8, v34, v35;
	v36 =	vnsel vm12, $0x1, v36;
	v35 =	vmin.u32 v38, v62;
	v62 =	vld [tilespmem:$0x20E]  }
0x95: {  	vm8 =	vlt.s32 v37, $0x1;
	vm0 =	vgt.s32 v34, v60;
	v36 =	vsub.s32 $0x1, v36  }
0x96: {  	vm13 =	vlt.s32 v35, $0x1;
	v37 =	vnsel vm8, $0x1, v37;
	v34 =	vsel vm0, v34, v60  }
0x97: {  	v35 =	vnsel vm13, $0x1, v35;
	v37 =	vsub.s32 $0x1, v37;
	v60 =	vld [tilespmem:$0x20D];
	vm4 =	vgt.s32 v34, v36  }
0x98: {  	v35 =	vsub.s32 $0x1, v35;
	v34 =	vsel vm4, v34, v36;
	v36 =	vsub.s32 v30, v45  }
0x99: {  	vm6 =	vgt.s32 v34, v35;
	v52 =	vsub.s32 $0x0, v36;
	v44 =	vsub.s32 v30, v62  }
0x9a: {  	v34 =	vsel vm6, v34, v35;
	v35 =	vmin.u32 v49, v50;
	v36 =	vmin.u32 v36, v52  }
0x9b: {  	v54 =	vld [tilespmem:$0x20C];
	v45 =	vsub.s32 $0x0, v44;
	v49 =	vsel vm14, $0x3EF5C28F, v33;
	vm0 =	vgt.s32 v34, v47  }
0x9c: {  	vm12 =	vlt.s32 v35, $0x1;
	vm4 =	vlt.s32 v36, $0x1;
	v41 =	vsub.s32 v30, v60  }
0x9d: {  	v34 =	vsel vm0, v34, v47;
	v35 =	vnsel vm12, $0x1, v35;
	v36 =	vnsel vm4, $0x1, v36  }
0x9e: {  	[tilespmem:$0x220] =	vst v1;
	v43 =	vsub.s32 $0x0, v41;
	vm13 =	vgt.s32 v34, v37;
	v35 =	vsub.s32 $0x1, v35  }
0x9f: {  	v47 =	vld [tilespmem:$0x211];
	v56 =	vsub.s32 $0x1, v36;
	v36 =	vmin.u32 v55, v57;
	v34 =	vsel vm13, v34, v37  }
0xa0: {  	v57 =	vld [tilespmem:$0x213];
	vm6 =	vlt.s32 v36, $0x1;
	v37 =	vsub.s32 v30, v54;
	vm5 =	vgt.s32 v34, v35  }
0xa1: {  	v36 =	vnsel vm6, $0x1, v36;
	v61 =	vsub.s32 $0x0, v37;
	v34 =	vsel vm5, v34, v35  }
0xa2: {  	v35 =	vmin.u32 v58, v59;
	v36 =	vsub.s32 $0x1, v36;
	v37 =	vmin.u32 v37, v61  }
0xa3: {  	v63 =	vld [tilespmem:$0x20F];
	vm0 =	vgt.s32 v34, v56;
	vm8 =	vlt.s32 v35, $0x1;
	vm13 =	vlt.s32 v37, $0x1  }
0xa4: {  	v53 =	vsub.s32 v30, v47;
	v34 =	vsel vm0, v34, v56;
	v35 =	vnsel vm8, $0x1, v35  }
0xa5: {  	v37 =	vnsel vm13, $0x1, v37;
	v55 =	vsub.s32 $0x0, v53;
	v38 =	vsub.s32 v31, v57  }
0xa6: {  	vm12 =	vgt.s32 v34, v36;
	v35 =	vsub.s32 $0x1, v35;
	v42 =	vsub.s32 $0x1, v37  }
0xa7: {  	v37 =	vmin.u32 v41, v43;
	v61 =	vsub.s32 $0x0, v38;
	v34 =	vsel vm12, v34, v36  }
0xa8: {  	v56 =	vld [tilespmem:$0x1FF50];
	vm5 =	vlt.s32 v37, $0x1;
	v36 =	vsub.s32 v30, v63;
	v38 =	vmin.u32 v38, v61  }
0xa9: {  	vm4 =	vgt.s32 v34, v35;
	v37 =	vnsel vm5, $0x1, v37;
	v46 =	vsub.s32 $0x0, v36  }
0xaa: {  	v41 =	vld [tilespmem:$0x214];
	v34 =	vsel vm4, v34, v35;
	v35 =	vmin.u32 v44, v45;
	v37 =	vsub.s32 $0x1, v37  }
0xab: {  	v36 =	vmin.u32 v36, v46;
	vm4 =	veq.s32 v30, v31;
	vm0 =	vgt.s32 v34, v42  }
0xac: {  	vm6 =	vlt.s32 v35, $0x1;
	vm12 =	vlt.s32 v36, $0x1;
	v54 =	vsel vm4, $0x1, v4  }
0xad: {  	vm5 =	vnez.u8 v56;
	vm4 =	vlt.s32 v38, $0x1;
	v34 =	vsel vm0, v34, v42  }
0xae: {  	v48 =	vld [tilespmem:$0x211];
	v35 =	vnsel vm6, $0x1, v35;
	v36 =	vnsel vm12, $0x1, v36;
	v33 =	vsel vm5, $0x3F666666, v32  }
0xaf: {  	v32 =	vsel vm5, $0x3F47AE14, v49;
	v62 =	vsub.s32 v31, v41;
	v38 =	vnsel vm4, $0x1, v38  }
0xb0: {  	v44 =	vld [tilespmem:$0x216];
	v42 =	vsel vm7, $0x3D8F5C29, v5;
	vm8 =	vgt.s32 v34, v37;
	v35 =	vsub.s32 $0x1, v35  }
0xb1: {  	v52 =	vld [tilespmem:$0x212];
	v51 =	vsub.s32 $0x1, v36;
	v36 =	vmin.u32 v53, v55;
	v63 =	vsub.s32 $0x0, v62  }
0xb2: {  	v38 =	vsub.s32 $0x1, v38;
	v42 =	vsel vm15, $0x3D75C28F, v42;
	(erf) = vrcp.f32 v33  }
0xb3: {  	v46 =	vld [tilespmem:$0x217];
	v34 =	vsel vm8, v34, v37;
	vm6 =	vlt.s32 v36, $0x1;
	v37 =	vsub.s32 v31, v48  }
0xb4: {  	v53 =	vld [tilespmem:$0x212];
	(erf) = vrcp.f32 v32;
	vm13 =	vgt.s32 v34, v35;
	v36 =	vnsel vm6, $0x1, v36  }
0xb5: {  	v61 =	vld [tilespmem:$0x21C];
	v58 =	vsub.s32 $0x0, v37;
	v48 =	vsub.s32 v31, v44;
	v50 =	vsel vm13, v34, v35  }
0xb6: {  	v35 =	vsub.s32 v31, v52;
	v36 =	vsub.s32 $0x1, v36;
	v37 =	vmin.u32 v37, v58  }
0xb7: {  	v49 =	vsub.s32 $0x0, v48;
	vm0 =	vgt.s32 v50, v51;
	v59 =	vsub.s32 $0x0, v35  }
0xb8: {  	v52 =	vld [tilespmem:$0x219];
	vm12 =	vlt.s32 v37, $0x1;
	v34 =	vsel vm0, v50, v51;
	v35 =	vmin.u32 v35, v59  }
0xb9: {  	v60 =	vld [tilespmem:$0x215];
	v37 =	vnsel vm12, $0x1, v37;
	v50 =	vsub.s32 v31, v46;
	v39 =	vsub.s32 v30, v53  }
0xba: {  	v46 =	vsub.s32 v31, v61;
	vm0 =	vgt.s32 v34, v54;
	vm13 =	vlt.s32 v35, $0x1  }
0xbb: {  	v58 =	vld [tilespmem:$0x21B];
	v37 =	vsub.s32 $0x1, v37;
	v51 =	vsub.s32 $0x0, v50;
	v34 =	vsel vm0, v34, v54  }
0xbc: {  	v59 =	vsub.s32 $0x0, v39;
	v35 =	vnsel vm13, $0x1, v35;
	vm8 =	vgt.s32 v34, v36  }
0xbd: {  	v47 =	vld [tilespmem:$0x218];
	v35 =	vsub.s32 $0x1, v35;
	v40 =	vsub.s32 v31, v52;
	v34 =	vsel vm8, v34, v36  }
0xbe: {  	vm14 =	vgt.s32 v37, v35;
	v36 =	vsub.s32 v31, v60;
	v57 =	vsub.s32 $0x0, v40  }
0xbf: {  	v52 =	vld [tilespmem:$0x220];
	v35 =	vsel vm14, v37, v35;
	v37 =	vmin.u32 v62, v63;
	v45 =	vsub.s32 $0x0, v36  }
0xc0: {  	v62 =	vsub.s32 v31, v58;
	vm5 =	vlt.s32 v37, $0x1;
	vm6 =	vgt.s32 v35, v38  }
0xc1: {  	v36 =	vmin.u32 v36, v45;
	v37 =	vnsel vm5, $0x1, v37;
	v35 =	vsel vm6, v35, v38  }
0xc2: {  	v63 =	vld [tilespmem:$0x21D];
	vm8 =	vlt.s32 v36, $0x1;
	v38 =	vsub.s32 v31, v47;
	v47 =	vsel vm7, $0x3D23D70A, v3  }
0xc3: {  	v37 =	vsub.s32 $0x1, v37;
	v36 =	vnsel vm8, $0x1, v36;
	v54 =	vsub.s32 $0x0, v38  }
0xc4: {  	v58 =	vsub.s32 v31, v52;
	v52 =	vshll.u32 v0, v29;
	vm12 =	vgt.s32 v35, v37  }
0xc5: {  	v36 =	vsub.s32 $0x1, v36;
	v38 =	vmin.u32 v38, v54;
	v41 =	vsub.s32 $0x0, v58  }
0xc6: {  	v35 =	vsel vm12, v35, v37;
	v37 =	vmin.u32 v48, v49;
	vm5 =	vlt.s32 v38, $0x1  }
0xc7: {  	v55 =	vld [tilespmem:$0x21A];
	v49 =	vsub.s32 v31, v63;
	vm0 =	vgt.s32 v35, v36;
	vm13 =	vlt.s32 v37, $0x1  }
0xc8: {  	v48 =	vld [tilespmem:$0x21E];
	v38 =	vnsel vm5, $0x1, v38;
	v35 =	vsel vm0, v35, v36;
	v37 =	vnsel vm13, $0x1, v37  }
0xc9: {  	v36 =	vmin.u32 v50, v51;
	v56 =	vsub.s32 $0x1, v38;
	v38 =	vmin.u32 v40, v57  }
0xca: {  	[tilespmem:$0x230] =	vst v2;
	v40 =	vsub.s32 $0x0, v62;
	v37 =	vsub.s32 $0x1, v37;
	vm14 =	vlt.s32 v36, $0x1  }
0xcb: {  	v57 =	vld [tilespmem:$0x221];
	vm8 =	vlt.s32 v38, $0x1;
	v36 =	vnsel vm14, $0x1, v36;
	vm4 =	vgt.s32 v35, v37  }
0xcc: {  	v38 =	vnsel vm8, $0x1, v38;
	v35 =	vsel vm4, v35, v37;
	v36 =	vsub.s32 $0x1, v36  }
0xcd: {  	v37 =	vsub.s32 v31, v55;
	v38 =	vsub.s32 $0x1, v38;
	v51 =	vsub.s32 v31, v48  }
0xce: {  	vm6 =	vgt.s32 v35, v36;
	v60 =	vsub.s32 $0x0, v37;
	v53 =	vsub.s32 $0x0, v51  }
0xcf: {  	v35 =	vsel vm6, v35, v36;
	v36 =	vmin.u32 v39, v59;
	v37 =	vmin.u32 v37, v60  }
0xd0: {  	v39 =	vsub.s32 $0x0, v46;
	v60 =	vmin.u32 v58, v41;
	v63 =	vsub.s32 v31, v57  }
0xd1: {  	vm0 =	vgt.s32 v35, v56;
	vm12 =	vlt.s32 v36, $0x1;
	vm14 =	vlt.s32 v37, $0x1  }
0xd2: {  	v50 =	vld [tilespmem:$0x21F];
	v35 =	vsel vm0, v35, v56;
	v36 =	vnsel vm12, $0x1, v36;
	v37 =	vnsel vm14, $0x1, v37  }
0xd3: {  	v61 =	vld [tilespmem:$0x222];
	vm13 =	vgt.s32 v35, v38;
	v36 =	vsub.s32 $0x1, v36;
	v37 =	vsub.s32 $0x1, v37  }
0xd4: {  	v35 =	vsel vm13, v35, v38;
	v38 =	vmin.u32 v62, v40;
	vm4 =	vgt.s32 v34, v36  }
0xd5: {  	v40 =	vsub.s32 $0x0, v49;
	vm5 =	vgt.s32 v35, v37;
	vm6 =	vlt.s32 v38, $0x1  }
0xd6: {  	v44 =	vld [tilespmem:$0x1FF70];
	v34 =	vsel vm4, v34, v36;
	v35 =	vsel vm5, v35, v37;
	v45 =	vnsel vm6, $0x1, v38  }
0xd7: {  	v37 =	vmin.u32 v46, v39;
	v38 =	vsel vm15, $0x3DA3D70A, v47;
	v39 =	vsub.s32 v31, v50  }
0xd8: {  	v62 =	vld [tilespmem:$0x1FF60];
	vm6 =	vlt.s32 v60, $0x1;
	v46 =	vsub.s32 v31, v61;
	v36 =	vsub.s32 $0x1, v45  }
0xd9: {  	vm7 =	vlt.s32 v37, $0x1;
	v54 =	vsub.s32 $0x0, v39;
	v45 =	vsub.s32 $0x0, v63  }
0xda: {  	v48 =	vsub.s32 $0x0, v46;
	vm0 =	vgt.s32 v35, v36;
	v37 =	vnsel vm7, $0x1, v37  }
0xdb: {  	v47 =	vld [tilespmem:$0x223];
	v56 =	vmin.u32 v39, v54;
	vm7 =	vnez.u8 v44;
	v35 =	vsel vm0, v35, v36  }
0xdc: {  	v50 =	vld [tilespmem:$0x213];
	v37 =	vsub.s32 $0x1, v37;
	v36 =	vmin.u32 v49, v40;
	vm14 =	vlt.s32 v56, $0x1  }
0xdd: {  	vm4 =	vnez.u8 v62;
	vm8 =	vgt.s32 v35, v37;
	vm12 =	vlt.s32 v36, $0x1  }
0xde: {  	v38 =	vsel vm4, $0x3D8F5C29, v38;
	v41 =	vsel vm4, $0x3E19999A, v42;
	v35 =	vsel vm8, v35, v37  }
0xdf: {  	v36 =	vnsel vm12, $0x1, v36;
	v37 =	vmin.u32 v51, v53;
	v38 =	vsel vm7, $0x3E19999A, v38  }
0xe0: {  	v41 =	vsel vm7, $0x3DE147AE, v41;
	v31 =	vsub.s32 v31, v47;
	v53 =	vadd.s32 v23, v52  }
0xe1: {  	v30 =	vsub.s32 v30, v50;
	v23 =	vcvt.s32.f32 v23;
	v36 =	vsub.s32 $0x1, v36  }
0xe2: {  	v49 =	vld [tilespmem:$0x1FF80];
	vm13 =	vlt.s32 v37, $0x1;
	v29 =	vshll.u32 v53, v29;
	v54 =	vsub.s32 $0x0, v31  }
0xe3: {  	v58 =	vsub.s32 $0x0, v30;
	vm0 =	vgt.s32 v35, v36;
	v55 =	vnsel vm13, $0x1, v37  }
0xe4: {  	v37 =	vnsel vm14, $0x1, v56;
	v31 =	vmin.u32 v31, v54;
	v30 =	vmin.u32 v30, v58  }
0xe5: {  	v29 =	vadd.s32 v26, v29;
	v26 =	vcvt.s32.f32 v26;
	v17 =	vsub.f32 v17, v23  }
0xe6: {  	v43 =	vld [tilespmem:$0x1FFC0];
	v35 =	vsel vm0, v35, v36;
	v36 =	vsub.s32 $0x1, v55;
	v59 =	vsub.s32 $0x1, v37  }
0xe7: {  	v37 =	vnsel vm6, $0x1, v60;
	vm13 =	vnez.u8 v49;
	vm6 =	vlt.s32 v31, $0x1  }
0xe8: {  	v29 =	vmul.u32 $0x3, v29;
	vm15 =	vgt.s32 v35, v36;
	v37 =	vsub.s32 $0x1, v37  }
0xe9: {  	v60 =	vpop (erf);
	v38 =	vsel vm13, $0x3E0F5C29, v38;
	v41 =	vsel vm13, $0x3E947AE1, v41;
	v31 =	vnsel vm6, $0x1, v31  }
0xea: {  	v56 =	vld [tilespmem:$0x1FF90];
	v18 =	vsub.f32 v18, v26;
	v13 =	vmul.f32 v60, v13;
	v17 =	vadd.f32 $9.999999930e-09, v17  }
0xeb: {  	vm6 =	vnez.u8 v43;
	v35 =	vsel vm15, v35, v36;
	v36 =	vmin.u32 v63, v45  }
0xec: {  	v31 =	vsub.s32 $0x1, v31;
	v61 =	vadd.s32 v28, v29;
	v63 =	vpop (erf);
	vm5 =	vgt.s32 v35, v59  }
0xed: {  	vm12 =	vlt.s32 v36, $0x1;
	v12 =	vmul.f32 v63, v12;
	v35 =	vsel vm5, v35, v59  }
0xee: {  	v18 =	vadd.f32 $9.999999930e-09, v18;
	v36 =	vnsel vm12, $0x1, v36;
	vm8 =	vgt.s32 v35, v37  }
0xef: {  	vm4 =	vnez.u8 v56;
	v59 =	vld [tilespmem:$0x1FFA0];
	v35 =	vsel vm8, v35, v37;
	v37 =	vmin.u32 v46, v48  }
0xf0: {  	v36 =	vsub.s32 $0x1, v36;
	v33 =	vsel vm4, $0x3E8F5C29, v38;
	vm15 =	vlt.s32 v37, $0x1  }
0xf1: {  	vm8 =	vlt.s32 v30, $0x1;
	vm14 =	vgt.s32 v35, v36;
	v51 =	vnsel vm15, $0x1, v37  }
0xf2: {  	v30 =	vnsel vm8, $0x1, v30;
	v35 =	vsel vm14, v35, v36;
	v55 =	vsub.s32 $0x1, v51  }
0xf3: {  	v47 =	vld [tilespmem:$0x1FFD0];
	v57 =	vsel vm4, $0x3E6147AE, v41;
	v62 =	vsub.s32 $0x1, v30;
	vm5 =	vgt.s32 v35, v55  }
0xf4: {  	v37 =	vshll.u32 v0, v22;
	vm7 =	vnez.u8 v59;
	v32 =	vsel vm5, v35, v55  }
0xf5: {  	vm14 =	vgt.s32 v34, v62;
	v33 =	vsel vm7, $0x3EC28F5C, v33;
	vm12 =	vgt.s32 v32, v31  }
0xf6: {  	v23 =	vsel vm14, v34, v62;
	v34 =	vcvt.s32.f32 v21;
	v31 =	vsel vm12, v32, v31;
	v32 =	vld [tilespmem:$0x1FFB0]  }
0xf7: {  	v35 =	vsel vm7, $0x3EF5C28F, v57;
	vm4 =	veq.s32 v23, $0x0;
	vm5 =	vgt.s32 v61, $0x0  }
0xf8: {  	vm7 =	vnez.u8 v47;
	vm0 =	vmand vm10, vm4;
	v27 =	vsub.f32 v27, v34  }
0xf9: {  	[tilespmem:$0x380] =	vst v16;
	v41 =	vnsel vm5, $0x0, v61;
	v36 =	vsel vm0, $0x3F800000, v8;
	v38 =	vnsel vm0, $0x3F000000, v18  }
0xfa: {  	[tilespmem:$0x390] =	vst v19;
	v40 =	vnsel vm0, $0x3F000000, v17;
	v13 =	vnsel vm0, $0x3F800000, v13;
	vm15 =	vgt.s32 v31, $0x0  }
0xfb: {  	[tilespmem:$0x280] =	vst v23;
	v12 =	vnsel vm0, $0x3F800000, v12;
	v31 =	vnsel vm15, $0x0, v31;
	vm13 =	vnez.u8 v32  }
0xfc: {  	[tilespmem:$0x290] =	vst v31;
	v29 =	vsel vm13, $0x3F666666, v33;
	v33 =	vsel vm13, $0x3F47AE14, v35;
	v35 =	vcvt.s32.f32 v25  }
0xfd: {  	vm2 =	vmand vm2, vm0;
	v42 =	vmin.u32 v41, $0x2FFFF;
	vm1 =	vmand vm6, vm0;
	[tilespmem:$0x300] =	vst v36;
	v39 =	vld [tilespmem:$0x290]  }
0xfe: {  	v63 =	vld [tilespmem:$0x1FFE0];
	[tilespmem:$0x400] =	vst v38;
	(erf) = vrcp.f32 v29;
	v23 =	vsub.f32 v24, v35;
	v24 =	vadd.s32 v25, v37  }
0xff: {  	v44 =	vmin.u32 v41, $0xBFFF;
	[tilespmem:$0x480] =	vst v40;
	(erf) = vrcp.f32 v33;
	v22 =	vshll.u32 v24, v22  }
0x100: {  	vm0 =	vmand vm7, vm0;
	v48 =	vmin.u32 v41, $0x2FFF;
	[tilespmem:$0x500] =	vst v13;
	v49 =	vadd.s32 v21, v22  }
0x101: {  	[tilespmem:$0x580] =	vst v12;
	v45 =	vnsel vm2, $0x0, v42;
	v46 =	vnsel vm1, $0x0, v44;
	v16 =	vmul.u32 $0x3, v49  }
0x102: {  	v12 =	vnsel vm0, $0x0, v48;
	v50 =	vadd.f32 $9.999999930e-09, v27;
	[tilespmem:$0x600] =	vst v45;
	vm8 =	veq.s32 v39, $0x0  }
0x103: {  	[tilespmem:$0x680] =	vst v46;
	vm15 =	vnez.u8 v63;
	vm10 =	vmand vm9, vm8;
	v54 =	vadd.s32 v20, v16  }
0x104: {  	[tilespmem:$0x700] =	vst v12;
	v53 =	vadd.f32 $9.999999930e-09, v23;
	v51 =	vsel vm10, $0x3F800000, v8;
	vm12 =	vgt.s32 v54, $0x0  }
0x105: {  	v13 =	vnsel vm10, $0x3F000000, v50;
	vm13 =	vmand vm11, vm10;
	[tilespmem:$0x310] =	vst v51;
	v12 =	vnsel vm12, $0x0, v54  }
0x106: {  	vm14 =	vmand vm3, vm10;
	[tilespmem:$0x410] =	vst v13;
	v56 =	vnsel vm10, $0x3F000000, v53;
	v59 =	vmin.u32 v12, $0x2FFFF  }
0x107: {  	vm0 =	vmand vm15, vm10;
	[tilespmem:$0x490] =	vst v56;
	v52 =	vpop (erf);
	v61 =	vmin.u32 v12, $0xBFFF;
	v60 =	vnsel vm13, $0x0, v59  }
0x108: {  	v12 =	vmin.u32 v12, $0x2FFF;
	v14 =	vmul.f32 v52, v14;
	v55 =	vpop (erf);
	v62 =	vnsel vm14, $0x0, v61;
	[tilespmem:$0x610] =	vst v60  }
0x109: {  	v12 =	vnsel vm0, $0x0, v12;
	v15 =	vmul.f32 v55, v15;
	[tilespmem:$0x690] =	vst v62  }
0x10a: {  	[tilespmem:$0x710] =	vst v12;
	v57 =	vnsel vm10, $0x3F800000, v14  }
0x10b: {  	[tilespmem:$0x510] =	vst v57;
	v58 =	vnsel vm10, $0x3F800000, v15  }
0x10c: {  	[tilespmem:$0x590] =	vst v58  }
0x10d: {  	[hbm4b:s6+s2] =	stream.linear.scatter [tilespmem:s21], [sflag:$0x1], $0x80, $0x38;
	[tilespmem:$0x780] =	vst v63  }
0x10e: {  	_ =	swait.ge [sflag:s17], $0x80  }
0x10f: {  	[sflag:s17] =	ssyncset.done $0x0  }
0x110: {  	[sflag:s17] =	ssyncadd.s32 $0xFFFFFF80  }
0x111: {  	[hbm4b:s7+s2] =	stream.linear.scatter [tilespmem:s22], [sflag:$0x1], $0x80, $0x38;
	[tilespmem:$0x780] =	vst v63  }
0x112: {  	_ =	swait.ge [sflag:s17], $0x80  }
0x113: {  	[sflag:s17] =	ssyncset.done $0x0  }
0x114: {  	[sflag:s17] =	ssyncadd.s32 $0xFFFFFF80  }
0x115: {  	[hbm4b:s8+s2] =	stream.linear.scatter [tilespmem:s23], [sflag:$0x1], $0x80, $0x38;
	[tilespmem:$0x780] =	vst v63  }
0x116: {  	_ =	swait.ge [sflag:s17], $0x80  }
0x117: {  	[sflag:s17] =	ssyncset.done $0x0  }
0x118: {  	[sflag:s17] =	ssyncadd.s32 $0xFFFFFF80  }
0x119: {  	[hbm4b:s9+s2] =	stream.linear.scatter [tilespmem:s24], [sflag:$0x1], $0x80, $0x38;
	[tilespmem:$0x780] =	vst v63  }
0x11a: {  	_ =	swait.ge [sflag:s17], $0x80  }
0x11b: {  	[sflag:s17] =	ssyncset.done $0x0  }
0x11c: {  	[sflag:s17] =	ssyncadd.s32 $0xFFFFFF80  }
0x11d: {  	[hbm4b:s10+s2] =	stream.linear.scatter [tilespmem:s25], [sflag:$0x1], $0x80, $0x38;
	[tilespmem:$0x780] =	vst v63  }
0x11e: {  	_ =	swait.ge [sflag:s17], $0x80  }
0x11f: {  	[sflag:s17] =	ssyncset.done $0x0  }
0x120: {  	[sflag:s17] =	ssyncadd.s32 $0xFFFFFF80  }
0x121: {  	[hbm4b:s11+s2] =	stream.linear.scatter [tilespmem:s26], [sflag:$0x1], $0x80, $0x38;
	[tilespmem:$0x780] =	vst v63  }
0x122: {  	_ =	swait.ge [sflag:s17], $0x80  }
0x123: {  	[sflag:s17] =	ssyncset.done $0x0  }
0x124: {  	[sflag:s17] =	ssyncadd.s32 $0xFFFFFF80  }
0x125: {  	[hbm4b:s12+s2] =	stream.linear.scatter [tilespmem:s28], [sflag:$0x1], $0x80, $0x38;
	[tilespmem:$0x780] =	vst v63  }
0x126: {  	_ =	swait.ge [sflag:s17], $0x80  }
0x127: {  	[sflag:s17] =	ssyncset.done $0x0  }
0x128: {  	[sflag:s17] =	ssyncadd.s32 $0xFFFFFF80  }
0x129: {  	[hbm4b:s13+s2] =	stream.linear.scatter [tilespmem:s29], [sflag:$0x1], $0x80, $0x38;
	[tilespmem:$0x780] =	vst v63  }
0x12a: {  	_ =	swait.ge [sflag:s17], $0x80  }
0x12b: {  	p0 =	sne.s32 s16, $0x1;
	[sflag:s17] =	ssyncset.done $0x0  }
.Ltmp1:
0x12c: {  	[sflag:s17] =	ssyncadd.s32 $0xFFFFFF80;
	(pc) =	sbr.rel @p0 .LBB2_2-.Ltmp1, $4  }
0x12d: {  	[hbm4b:s14+s2] =	stream.linear.scatter [tilespmem:s30], [sflag:$0x1], $0x80, $0x38;
	[tilespmem:$0x780] =	vst v63  }
0x12e: {  	_ =	swait.ge [sflag:s17], $0x80  }
0x12f: {  	[sflag:s17] =	ssyncset.done $0x0  }
0x130: {  	s16 =	sadd.s32 $0xFFFFFFFF, s16;
	[sflag:s17] =	ssyncadd.s32 $0xFFFFFF80  }
.LBB2_3:
0x131: {  	_ =	sfence.sel $0x180000  }
0x132: {  	[bflag:$0x0] =	sbarrier.arrive $0xFFFF  }
0x133: {  	p0 =	sne.s32 s1, $0x0;
	_ =	strace $0x90000047  }
0x134: {  	s0 =	sadd.s32 @!p0 $0x100000, s0;
	[bflag:$0x2] =	sbarrier.arrive $0xFFFF  }
0x135: {  	[sflag:s0] =	ssyncadd.tile.s32 @!p0 $0x1;
	_ =	shalt  }
.Lfunc_end2:
_tile_overlayer_lowered:
.L_overlay_start_2:
0x136: {  	(tag) =	ssettag $0x2  }
0x137: {  	s0 =	rddreg [dreg:$0x0];
	s2 =	stileid.u32  }
0x138: {  	s1 =	rddreg [dreg:$0x1];
	p0 =	sne.s32 s2, $0x0  }
0x139: {  	s3 =	rddreg [dreg:$0x2];
	[bflag:$0x3] =	sbarrier.arrive $0xFFFF;
	s2 =	simm.s32 @!p0 $0x1C01  }
0x13a: {  	[timem:s3], [sflag:s2] =	dma.local @!p0 [hbm:s0], s1  }
0x13b: {  	s0 =	simm.s32 @!p0 $0x1  }
0x13c: {  	_ =	swait.ge @!p0 [sflag:s0], s1  }
0x13d: {  	s1 =	ssub.s32 @!p0 $0x0, s1;
	[sflag:s0] =	ssyncset.done @!p0 $0x0  }
0x13e: {  	[sflag:s0] =	ssyncadd.s32 @!p0 s1  }
0x13f: {  	[bflag:$0x3] =	sbarrier.arrive $0xFFFF  }
0x140: {  	_ =	shalt  }

</sc_bundles>
